<compile_context>
chip_gen: v7x
topology: tpu7x:2x2x1
jax: 0.10.2.dev20260603
libtpu: 0.0.44.dev20260713+nightly
codegen_flags: <defaults>
</compile_context>

<pallas_src>
import functools

import jax
import jax.numpy as jnp
from jax import lax
from jax.experimental import pallas as pl
from jax.experimental.pallas import tpu as pltpu
from jax.experimental.pallas import tpu_sc as plsc

_B = 4096
_D = 64
_NE = 3
_NC, _NS = 2, 16
_NW = _NC * _NS
_BPW = _B // _NW
_L = 16
_IPW = _BPW * _NE
_RG = _IPW // 8


def _body(xf, tbl3, out, iv, rows_v, q, ov, sem):
    wid = lax.axis_index("s") * _NC + lax.axis_index("c")
    base = wid * _BPW
    pltpu.sync_copy(xf.at[pl.ds(wid * _IPW, _IPW)], iv)

    @plsc.parallel_loop(0, _IPW // _L)
    def fire(g):
        vec = iv[pl.ds(g * _L, _L)]
        tvec = lax.shift_right_logical(vec, 3)
        rvec = lax.bitwise_and(vec, 7)
        for e in range(_L):
            pltpu.async_copy(
                tbl3.at[tvec[e], rvec[e]],
                rows_v.at[2 * g + e // 8, e % 8],
                sem)
    pltpu.make_async_copy(tbl3.at[pl.ds(0, _RG)], rows_v, sem).wait()

    lanes = lax.iota(jnp.int32, _L)

    @plsc.parallel_loop(0, _BPW, unroll=2)
    def elem(b):
        p = _NE * b
        acc = None
        for k in range(_D // _L):
            s = pl.ds(k * _L, _L)
            t = rows_v[lax.shift_right_logical(p, 3),
                       lax.bitwise_and(p, 7), s] \
                * rows_v[lax.shift_right_logical(p + 1, 3),
                         lax.bitwise_and(p + 1, 7), s] \
                * rows_v[lax.shift_right_logical(p + 2, 3),
                         lax.bitwise_and(p + 2, 7), s]
            acc = t if acc is None else acc + t
        plsc.store_scatter(q, [lanes, jnp.full((_L,), b, jnp.int32)], acc)

    for g in range(_BPW // _L):
        s = pl.ds(g * _L, _L)
        tot = q[0, s]
        for r in range(1, _L):
            tot = tot + q[r, s]
        ov[s] = 1.0 / (1.0 + jnp.exp(-tot))
    pltpu.sync_copy(ov, out.at[pl.ds(base, _BPW)])


@functools.partial(jax.jit, static_argnames=())
def _run(xf, tbl3):
    mesh = plsc.VectorSubcoreMesh(
        core_axis_name="c", subcore_axis_name="s",
        num_cores=_NC, num_subcores=_NS,
    )
    return pl.kernel(
        _body,
        out_type=jax.ShapeDtypeStruct((_B,), jnp.float32),
        mesh=mesh,
        compiler_params=pltpu.CompilerParams(
            needs_layout_passes=False, use_tc_tiling_on_sc=True),
        scratch_types=[
            pltpu.VMEM((_IPW,), jnp.int32),
            pltpu.VMEM((_RG, 8, _D), jnp.float32),
            pltpu.VMEM((_L, _BPW), jnp.float32),
            pltpu.VMEM((_BPW,), jnp.float32),
            pltpu.SemaphoreType.DMA,
        ],
    )(xf, tbl3)


def kernel(x, node_embedding):
    xf = x.astype(jnp.int32).reshape(-1)
    v = node_embedding.shape[0]
    tbl3 = node_embedding.reshape(v // 8, 8, _D)
    return _run(xf, tbl3)

# --- scband reference (transcript-rebuilt; emitter-appended) ---
"""Pipeline reference for scband-hyper-sagnn-model-41386304864517 (READ-ONLY COPY).

The authoritative reference and input builder live on the scoring server;
editing this copy changes nothing except your own understanding.
"""

import jax, jax.numpy as jnp
import numpy as np

VOCAB = 100000
EMB_DIM = 64
BATCH = 4096
NUM_EMB = 3

def setup_inputs(seed: int = 0) -> dict:
    key = jax.random.key(seed)
    k1, k2 = jax.random.split(key)
    x = jax.random.randint(k1, (BATCH, NUM_EMB), 0, VOCAB)
    node_embedding = jax.random.normal(k2, (VOCAB, EMB_DIM), dtype=jnp.float32)
    return {"x": x, "node_embedding": node_embedding}

def reference(x, node_embedding):
    sz_b, num_emb = x.shape
    # embedding gather (SparseCore-style lookup)
    emb = jnp.take(node_embedding, x.reshape(-1), axis=0)
    y = emb.reshape(sz_b, num_emb, -1)
    output = y[:, 0] * y[:, 1] * y[:, 2]
    output = jnp.sum(output, axis=1)
    output = jax.nn.sigmoid(output)
    return output

if __name__ == "__main__":
    import jax
    _d = setup_inputs()
    print(jax.jit(kernel)(*tuple(_d.values())))

</pallas_src>

<mosaic_0001>
#map = affine_map<(d0, d1) -> (0)>
#map1 = affine_map<(d0, d1) -> (0, 0, 0)>
module attributes {stable_mosaic.version = 14 : i64} {
  func.func @_body(%arg0: i32, %arg1: i32, %arg2: memref<12288xi32, #tpu.memory_space<hbm>>, %arg3: memref<12500x8x64xf32, #tpu.memory_space<hbm>>, %arg4: memref<4096xf32, #tpu.memory_space<hbm>>, %arg5: memref<384xi32, #tpu.memory_space<vmem>>, %arg6: memref<48x8x64xf32, #tpu.memory_space<vmem>>, %arg7: memref<16x128xf32, #tpu.memory_space<vmem>>, %arg8: memref<128xf32, #tpu.memory_space<vmem>>, %arg9: memref<!tpu.dma_semaphore, #tpu.memory_space<semaphore_mem>>) attributes {dimension_semantics = [#tpu.dimension_semantics<core_parallel>, #tpu.dimension_semantics<subcore_parallel>], iteration_bounds = array<i64: 2, 16>, scalar_prefetch = 0 : i64, scratch_operands = 5 : i64, tpu.core_type = #tpu.core_type<sc_vector_subcore>, window_params = [{transform_indices = #map}, {transform_indices = #map1}, {transform_indices = #map}]} {
    %mul3A = arith.constant 2 : i32
    %mul3A_0 = arith.muli %arg1, %mul3A : i32
    %add3A = arith.addi %mul3A_0, %arg0 : i32
    %mul3A_1 = arith.constant 128 : i32
    %mul3A_2 = arith.muli %add3A, %mul3A_1 : i32
    %mul3A_3 = arith.constant 384 : i32
    %mul3A_4 = arith.muli %add3A, %mul3A_3 : i32
    "tpu.region"() ({
      %run_scoped3A = tpu.sem_alloc : memref<!tpu.dma_semaphore, #tpu.memory_space<semaphore_mem>>
      %dma_start3A = tpu.memref_slice %arg2[%mul3A_4] : memref<12288xi32, #tpu.memory_space<hbm>> -> memref<384xi32, #tpu.memory_space<hbm>>
      %dma_start3A_740 = tpu.memref_slice %arg2[%mul3A_4] : memref<12288xi32, #tpu.memory_space<hbm>> -> memref<384xi32, #tpu.memory_space<hbm>>
      tpu.enqueue_dma source(%dma_start3A_740 : memref<384xi32, #tpu.memory_space<hbm>>) target(%arg5 : memref<384xi32, #tpu.memory_space<vmem>>) target_semaphore(%run_scoped3A : memref<!tpu.dma_semaphore, #tpu.memory_space<semaphore_mem>>)
      %dma_wait3A_741 = tpu.memref_slice %arg2[%mul3A_4] : memref<12288xi32, #tpu.memory_space<hbm>> -> memref<384xi32, #tpu.memory_space<hbm>>
      %dma_wait3A_742 = tpu.memref_slice %arg2[%mul3A_4] : memref<12288xi32, #tpu.memory_space<hbm>> -> memref<384xi32, #tpu.memory_space<hbm>>
      tpu.wait_dma2 semaphore(%run_scoped3A : memref<!tpu.dma_semaphore, #tpu.memory_space<semaphore_mem>>) src(%dma_wait3A_742 : memref<384xi32, #tpu.memory_space<hbm>>) dst(%arg5 : memref<384xi32, #tpu.memory_space<vmem>>)
      tpu.yield
    }) : () -> ()
    %parallel_loop3A = arith.constant 0 : i32
    %parallel_loop3A_5 = arith.constant 24 : i32
    %parallel_loop3A_6 = arith.constant 1 : i32
    scf.for %parallel_loop3A_740 = %parallel_loop3A to %parallel_loop3A_5 step %parallel_loop3A_6  : i32 {
      %parallel_loop3A_741 = arith.constant 16 : i32
      %parallel_loop3A_742 = arith.muli %parallel_loop3A_740, %parallel_loop3A_741 : i32
      %parallel_loop3A_743 = arith.index_cast %parallel_loop3A_742 : i32 to index
      %parallel_loop3A_744 = tpu.vector_load %arg5[%parallel_loop3A_743] {strides = array<i32>} : memref<384xi32, #tpu.memory_space<vmem>>, vector<16xi32>,
      %parallel_loop3A_745 = arith.constant 3 : i32
      %parallel_loop3A_746 = vector.broadcast %parallel_loop3A_745 : i32 to vector<16xi32>
      %parallel_loop3A_747 = arith.shrui %parallel_loop3A_744, %parallel_loop3A_746 : vector<16xi32>
      %parallel_loop3A_748 = arith.constant 7 : i32
      %parallel_loop3A_749 = vector.broadcast %parallel_loop3A_748 : i32 to vector<16xi32>
      %parallel_loop3A_750 = arith.andi %parallel_loop3A_744, %parallel_loop3A_749 : vector<16xi32>
      %parallel_loop3A_751 = vector.extract_strided_slice %parallel_loop3A_747 {offsets = [0], sizes = [1], strides = [1]} : vector<16xi32> to vector<1xi32>
      %parallel_loop3A_752 = vector.extract %parallel_loop3A_751[0] : i32 from vector<1xi32>
      %parallel_loop3A_753 = vector.extract_strided_slice %parallel_loop3A_750 {offsets = [0], sizes = [1], strides = [1]} : vector<16xi32> to vector<1xi32>
      %parallel_loop3A_754 = vector.extract %parallel_loop3A_753[0] : i32 from vector<1xi32>
      %parallel_loop3A_755 = arith.constant 2 : i32
      %parallel_loop3A_756 = arith.muli %parallel_loop3A_755, %parallel_loop3A_740 : i32
      %parallel_loop3A_757 = arith.constant 0 : i32
      %parallel_loop3A_758 = arith.addi %parallel_loop3A_756, %parallel_loop3A_757 : i32
      %parallel_loop3A_759 = arith.constant 0 : i32
      %parallel_loop3A_760 = arith.constant 0 : i32
      %parallel_loop3A_761 = tpu.memref_slice %arg6[%parallel_loop3A_758, %parallel_loop3A_759, %parallel_loop3A_760] : memref<48x8x64xf32, #tpu.memory_space<vmem>> -> memref<1x1x64xf32, #tpu.memory_space<vmem>>
      %parallel_loop3A_762 = tpu.memref_squeeze %parallel_loop3A_761 : memref<1x1x64xf32, #tpu.memory_space<vmem>> -> memref<64xf32, #tpu.memory_space<vmem>>
      %parallel_loop3A_763 = arith.constant 0 : i32
      %parallel_loop3A_764 = tpu.memref_slice %arg3[%parallel_loop3A_752, %parallel_loop3A_754, %parallel_loop3A_763] : memref<12500x8x64xf32, #tpu.memory_space<hbm>> -> memref<1x1x64xf32, #tpu.memory_space<hbm>>
      %parallel_loop3A_765 = tpu.memref_squeeze %parallel_loop3A_764 : memref<1x1x64xf32, #tpu.memory_space<hbm>> -> memref<64xf32, #tpu.memory_space<hbm>>
      %parallel_loop3A_766 = arith.constant 0 : i32
      %parallel_loop3A_767 = tpu.memref_slice %arg6[%parallel_loop3A_758, %parallel_loop3A_759, %parallel_loop3A_766] : memref<48x8x64xf32, #tpu.memory_space<vmem>> -> memref<1x1x64xf32, #tpu.memory_space<vmem>>
      %parallel_loop3A_768 = tpu.memref_squeeze %parallel_loop3A_767 : memref<1x1x64xf32, #tpu.memory_space<vmem>> -> memref<64xf32, #tpu.memory_space<vmem>>
      %parallel_loop3A_769 = arith.constant 0 : i32
      %parallel_loop3A_770 = tpu.memref_slice %arg3[%parallel_loop3A_752, %parallel_loop3A_754, %parallel_loop3A_769] : memref<12500x8x64xf32, #tpu.memory_space<hbm>> -> memref<1x1x64xf32, #tpu.memory_space<hbm>>
      %parallel_loop3A_771 = tpu.memref_squeeze %parallel_loop3A_770 : memref<1x1x64xf32, #tpu.memory_space<hbm>> -> memref<64xf32, #tpu.memory_space<hbm>>
      tpu.enqueue_dma source(%parallel_loop3A_771 : memref<64xf32, #tpu.memory_space<hbm>>) target(%parallel_loop3A_768 : memref<64xf32, #tpu.memory_space<vmem>>) target_semaphore(%arg9 : memref<!tpu.dma_semaphore, #tpu.memory_space<semaphore_mem>>)
      %parallel_loop3A_772 = vector.extract_strided_slice %parallel_loop3A_747 {offsets = [1], sizes = [1], strides = [1]} : vector<16xi32> to vector<1xi32>
      %parallel_loop3A_773 = vector.extract %parallel_loop3A_772[0] : i32 from vector<1xi32>
      %parallel_loop3A_774 = vector.extract_strided_slice %parallel_loop3A_750 {offsets = [1], sizes = [1], strides = [1]} : vector<16xi32> to vector<1xi32>
      %parallel_loop3A_775 = vector.extract %parallel_loop3A_774[0] : i32 from vector<1xi32>
      %parallel_loop3A_776 = arith.constant 2 : i32
      %parallel_loop3A_777 = arith.muli %parallel_loop3A_776, %parallel_loop3A_740 : i32
      %parallel_loop3A_778 = arith.constant 0 : i32
      %parallel_loop3A_779 = arith.addi %parallel_loop3A_777, %parallel_loop3A_778 : i32
      %parallel_loop3A_780 = arith.constant 1 : i32
      %parallel_loop3A_781 = arith.constant 0 : i32
      %parallel_loop3A_782 = tpu.memref_slice %arg6[%parallel_loop3A_779, %parallel_loop3A_780, %parallel_loop3A_781] : memref<48x8x64xf32, #tpu.memory_space<vmem>> -> memref<1x1x64xf32, #tpu.memory_space<vmem>>
      %parallel_loop3A_783 = tpu.memref_squeeze %parallel_loop3A_782 : memref<1x1x64xf32, #tpu.memory_space<vmem>> -> memref<64xf32, #tpu.memory_space<vmem>>
      %parallel_loop3A_784 = arith.constant 0 : i32
      %parallel_loop3A_785 = tpu.memref_slice %arg3[%parallel_loop3A_773, %parallel_loop3A_775, %parallel_loop3A_784] : memref<12500x8x64xf32, #tpu.memory_space<hbm>> -> memref<1x1x64xf32, #tpu.memory_space<hbm>>
      %parallel_loop3A_786 = tpu.memref_squeeze %parallel_loop3A_785 : memref<1x1x64xf32, #tpu.memory_space<hbm>> -> memref<64xf32, #tpu.memory_space<hbm>>
      %parallel_loop3A_787 = arith.constant 0 : i32
      %parallel_loop3A_788 = tpu.memref_slice %arg6[%parallel_loop3A_779, %parallel_loop3A_780, %parallel_loop3A_787] : memref<48x8x64xf32, #tpu.memory_space<vmem>> -> memref<1x1x64xf32, #tpu.memory_space<vmem>>
      %parallel_loop3A_789 = tpu.memref_squeeze %parallel_loop3A_788 : memref<1x1x64xf32, #tpu.memory_space<vmem>> -> memref<64xf32, #tpu.memory_space<vmem>>
      %parallel_loop3A_790 = arith.constant 0 : i32
      %parallel_loop3A_791 = tpu.memref_slice %arg3[%parallel_loop3A_773, %parallel_loop3A_775, %parallel_loop3A_790] : memref<12500x8x64xf32, #tpu.memory_space<hbm>> -> memref<1x1x64xf32, #tpu.memory_space<hbm>>
      %parallel_loop3A_792 = tpu.memref_squeeze %parallel_loop3A_791 : memref<1x1x64xf32, #tpu.memory_space<hbm>> -> memref<64xf32, #tpu.memory_space<hbm>>
      tpu.enqueue_dma source(%parallel_loop3A_792 : memref<64xf32, #tpu.memory_space<hbm>>) target(%parallel_loop3A_789 : memref<64xf32, #tpu.memory_space<vmem>>) target_semaphore(%arg9 : memref<!tpu.dma_semaphore, #tpu.memory_space<semaphore_mem>>)
      %parallel_loop3A_793 = vector.extract_strided_slice %parallel_loop3A_747 {offsets = [2], sizes = [1], strides = [1]} : vector<16xi32> to vector<1xi32>
      %parallel_loop3A_794 = vector.extract %parallel_loop3A_793[0] : i32 from vector<1xi32>
      %parallel_loop3A_795 = vector.extract_strided_slice %parallel_loop3A_750 {offsets = [2], sizes = [1], strides = [1]} : vector<16xi32> to vector<1xi32>
      %parallel_loop3A_796 = vector.extract %parallel_loop3A_795[0] : i32 from vector<1xi32>
      %parallel_loop3A_797 = arith.constant 2 : i32
      %parallel_loop3A_798 = arith.muli %parallel_loop3A_797, %parallel_loop3A_740 : i32
      %parallel_loop3A_799 = arith.constant 0 : i32
      %parallel_loop3A_800 = arith.addi %parallel_loop3A_798, %parallel_loop3A_799 : i32
      %parallel_loop3A_801 = arith.constant 2 : i32
      %parallel_loop3A_802 = arith.constant 0 : i32
      %parallel_loop3A_803 = tpu.memref_slice %arg6[%parallel_loop3A_800, %parallel_loop3A_801, %parallel_loop3A_802] : memref<48x8x64xf32, #tpu.memory_space<vmem>> -> memref<1x1x64xf32, #tpu.memory_space<vmem>>
      %parallel_loop3A_804 = tpu.memref_squeeze %parallel_loop3A_803 : memref<1x1x64xf32, #tpu.memory_space<vmem>> -> memref<64xf32, #tpu.memory_space<vmem>>
      %parallel_loop3A_805 = arith.constant 0 : i32
      %parallel_loop3A_806 = tpu.memref_slice %arg3[%parallel_loop3A_794, %parallel_loop3A_796, %parallel_loop3A_805] : memref<12500x8x64xf32, #tpu.memory_space<hbm>> -> memref<1x1x64xf32, #tpu.memory_space<hbm>>
      %parallel_loop3A_807 = tpu.memref_squeeze %parallel_loop3A_806 : memref<1x1x64xf32, #tpu.memory_space<hbm>> -> memref<64xf32, #tpu.memory_space<hbm>>
      %parallel_loop3A_808 = arith.constant 0 : i32
      %parallel_loop3A_809 = tpu.memref_slice %arg6[%parallel_loop3A_800, %parallel_loop3A_801, %parallel_loop3A_808] : memref<48x8x64xf32, #tpu.memory_space<vmem>> -> memref<1x1x64xf32, #tpu.memory_space<vmem>>
      %parallel_loop3A_810 = tpu.memref_squeeze %parallel_loop3A_809 : memref<1x1x64xf32, #tpu.memory_space<vmem>> -> memref<64xf32, #tpu.memory_space<vmem>>
      %parallel_loop3A_811 = arith.constant 0 : i32
      %parallel_loop3A_812 = tpu.memref_slice %arg3[%parallel_loop3A_794, %parallel_loop3A_796, %parallel_loop3A_811] : memref<12500x8x64xf32, #tpu.memory_space<hbm>> -> memref<1x1x64xf32, #tpu.memory_space<hbm>>
      %parallel_loop3A_813 = tpu.memref_squeeze %parallel_loop3A_812 : memref<1x1x64xf32, #tpu.memory_space<hbm>> -> memref<64xf32, #tpu.memory_space<hbm>>
      tpu.enqueue_dma source(%parallel_loop3A_813 : memref<64xf32, #tpu.memory_space<hbm>>) target(%parallel_loop3A_810 : memref<64xf32, #tpu.memory_space<vmem>>) target_semaphore(%arg9 : memref<!tpu.dma_semaphore, #tpu.memory_space<semaphore_mem>>)
      %parallel_loop3A_814 = vector.extract_strided_slice %parallel_loop3A_747 {offsets = [3], sizes = [1], strides = [1]} : vector<16xi32> to vector<1xi32>
      %parallel_loop3A_815 = vector.extract %parallel_loop3A_814[0] : i32 from vector<1xi32>
      %parallel_loop3A_816 = vector.extract_strided_slice %parallel_loop3A_750 {offsets = [3], sizes = [1], strides = [1]} : vector<16xi32> to vector<1xi32>
      %parallel_loop3A_817 = vector.extract %parallel_loop3A_816[0] : i32 from vector<1xi32>
      %parallel_loop3A_818 = arith.constant 2 : i32
      %parallel_loop3A_819 = arith.muli %parallel_loop3A_818, %parallel_loop3A_740 : i32
      %parallel_loop3A_820 = arith.constant 0 : i32
      %parallel_loop3A_821 = arith.addi %parallel_loop3A_819, %parallel_loop3A_820 : i32
      %parallel_loop3A_822 = arith.constant 3 : i32
      %parallel_loop3A_823 = arith.constant 0 : i32
      %parallel_loop3A_824 = tpu.memref_slice %arg6[%parallel_loop3A_821, %parallel_loop3A_822, %parallel_loop3A_823] : memref<48x8x64xf32, #tpu.memory_space<vmem>> -> memref<1x1x64xf32, #tpu.memory_space<vmem>>
      %parallel_loop3A_825 = tpu.memref_squeeze %parallel_loop3A_824 : memref<1x1x64xf32, #tpu.memory_space<vmem>> -> memref<64xf32, #tpu.memory_space<vmem>>
      %parallel_loop3A_826 = arith.constant 0 : i32
      %parallel_loop3A_827 = tpu.memref_slice %arg3[%parallel_loop3A_815, %parallel_loop3A_817, %parallel_loop3A_826] : memref<12500x8x64xf32, #tpu.memory_space<hbm>> -> memref<1x1x64xf32, #tpu.memory_space<hbm>>
      %parallel_loop3A_828 = tpu.memref_squeeze %parallel_loop3A_827 : memref<1x1x64xf32, #tpu.memory_space<hbm>> -> memref<64xf32, #tpu.memory_space<hbm>>
      %parallel_loop3A_829 = arith.constant 0 : i32
      %parallel_loop3A_830 = tpu.memref_slice %arg6[%parallel_loop3A_821, %parallel_loop3A_822, %parallel_loop3A_829] : memref<48x8x64xf32, #tpu.memory_space<vmem>> -> memref<1x1x64xf32, #tpu.memory_space<vmem>>
      %parallel_loop3A_831 = tpu.memref_squeeze %parallel_loop3A_830 : memref<1x1x64xf32, #tpu.memory_space<vmem>> -> memref<64xf32, #tpu.memory_space<vmem>>
      %parallel_loop3A_832 = arith.constant 0 : i32
      %parallel_loop3A_833 = tpu.memref_slice %arg3[%parallel_loop3A_815, %parallel_loop3A_817, %parallel_loop3A_832] : memref<12500x8x64xf32, #tpu.memory_space<hbm>> -> memref<1x1x64xf32, #tpu.memory_space<hbm>>
      %parallel_loop3A_834 = tpu.memref_squeeze %parallel_loop3A_833 : memref<1x1x64xf32, #tpu.memory_space<hbm>> -> memref<64xf32, #tpu.memory_space<hbm>>
      tpu.enqueue_dma source(%parallel_loop3A_834 : memref<64xf32, #tpu.memory_space<hbm>>) target(%parallel_loop3A_831 : memref<64xf32, #tpu.memory_space<vmem>>) target_semaphore(%arg9 : memref<!tpu.dma_semaphore, #tpu.memory_space<semaphore_mem>>)
      %parallel_loop3A_835 = vector.extract_strided_slice %parallel_loop3A_747 {offsets = [4], sizes = [1], strides = [1]} : vector<16xi32> to vector<1xi32>
      %parallel_loop3A_836 = vector.extract %parallel_loop3A_835[0] : i32 from vector<1xi32>
      %parallel_loop3A_837 = vector.extract_strided_slice %parallel_loop3A_750 {offsets = [4], sizes = [1], strides = [1]} : vector<16xi32> to vector<1xi32>
      %parallel_loop3A_838 = vector.extract %parallel_loop3A_837[0] : i32 from vector<1xi32>
      %parallel_loop3A_839 = arith.constant 2 : i32
      %parallel_loop3A_840 = arith.muli %parallel_loop3A_839, %parallel_loop3A_740 : i32
      %parallel_loop3A_841 = arith.constant 0 : i32
      %parallel_loop3A_842 = arith.addi %parallel_loop3A_840, %parallel_loop3A_841 : i32
      %parallel_loop3A_843 = arith.constant 4 : i32
      %parallel_loop3A_844 = arith.constant 0 : i32
      %parallel_loop3A_845 = tpu.memref_slice %arg6[%parallel_loop3A_842, %parallel_loop3A_843, %parallel_loop3A_844] : memref<48x8x64xf32, #tpu.memory_space<vmem>> -> memref<1x1x64xf32, #tpu.memory_space<vmem>>
      %parallel_loop3A_846 = tpu.memref_squeeze %parallel_loop3A_845 : memref<1x1x64xf32, #tpu.memory_space<vmem>> -> memref<64xf32, #tpu.memory_space<vmem>>
      %parallel_loop3A_847 = arith.constant 0 : i32
      %parallel_loop3A_848 = tpu.memref_slice %arg3[%parallel_loop3A_836, %parallel_loop3A_838, %parallel_loop3A_847] : memref<12500x8x64xf32, #tpu.memory_space<hbm>> -> memref<1x1x64xf32, #tpu.memory_space<hbm>>
      %parallel_loop3A_849 = tpu.memref_squeeze %parallel_loop3A_848 : memref<1x1x64xf32, #tpu.memory_space<hbm>> -> memref<64xf32, #tpu.memory_space<hbm>>
      %parallel_loop3A_850 = arith.constant 0 : i32
      %parallel_loop3A_851 = tpu.memref_slice %arg6[%parallel_loop3A_842, %parallel_loop3A_843, %parallel_loop3A_850] : memref<48x8x64xf32, #tpu.memory_space<vmem>> -> memref<1x1x64xf32, #tpu.memory_space<vmem>>
      %parallel_loop3A_852 = tpu.memref_squeeze %parallel_loop3A_851 : memref<1x1x64xf32, #tpu.memory_space<vmem>> -> memref<64xf32, #tpu.memory_space<vmem>>
      %parallel_loop3A_853 = arith.constant 0 : i32
      %parallel_loop3A_854 = tpu.memref_slice %arg3[%parallel_loop3A_836, %parallel_loop3A_838, %parallel_loop3A_853] : memref<12500x8x64xf32, #tpu.memory_space<hbm>> -> memref<1x1x64xf32, #tpu.memory_space<hbm>>
      %parallel_loop3A_855 = tpu.memref_squeeze %parallel_loop3A_854 : memref<1x1x64xf32, #tpu.memory_space<hbm>> -> memref<64xf32, #tpu.memory_space<hbm>>
      tpu.enqueue_dma source(%parallel_loop3A_855 : memref<64xf32, #tpu.memory_space<hbm>>) target(%parallel_loop3A_852 : memref<64xf32, #tpu.memory_space<vmem>>) target_semaphore(%arg9 : memref<!tpu.dma_semaphore, #tpu.memory_space<semaphore_mem>>)
      %parallel_loop3A_856 = vector.extract_strided_slice %parallel_loop3A_747 {offsets = [5], sizes = [1], strides = [1]} : vector<16xi32> to vector<1xi32>
      %parallel_loop3A_857 = vector.extract %parallel_loop3A_856[0] : i32 from vector<1xi32>
      %parallel_loop3A_858 = vector.extract_strided_slice %parallel_loop3A_750 {offsets = [5], sizes = [1], strides = [1]} : vector<16xi32> to vector<1xi32>
      %parallel_loop3A_859 = vector.extract %parallel_loop3A_858[0] : i32 from vector<1xi32>
      %parallel_loop3A_860 = arith.constant 2 : i32
      %parallel_loop3A_861 = arith.muli %parallel_loop3A_860, %parallel_loop3A_740 : i32
      %parallel_loop3A_862 = arith.constant 0 : i32
      %parallel_loop3A_863 = arith.addi %parallel_loop3A_861, %parallel_loop3A_862 : i32
      %parallel_loop3A_864 = arith.constant 5 : i32
      %parallel_loop3A_865 = arith.constant 0 : i32
      %parallel_loop3A_866 = tpu.memref_slice %arg6[%parallel_loop3A_863, %parallel_loop3A_864, %parallel_loop3A_865] : memref<48x8x64xf32, #tpu.memory_space<vmem>> -> memref<1x1x64xf32, #tpu.memory_space<vmem>>
      %parallel_loop3A_867 = tpu.memref_squeeze %parallel_loop3A_866 : memref<1x1x64xf32, #tpu.memory_space<vmem>> -> memref<64xf32, #tpu.memory_space<vmem>>
      %parallel_loop3A_868 = arith.constant 0 : i32
      %parallel_loop3A_869 = tpu.memref_slice %arg3[%parallel_loop3A_857, %parallel_loop3A_859, %parallel_loop3A_868] : memref<12500x8x64xf32, #tpu.memory_space<hbm>> -> memref<1x1x64xf32, #tpu.memory_space<hbm>>
      %parallel_loop3A_870 = tpu.memref_squeeze %parallel_loop3A_869 : memref<1x1x64xf32, #tpu.memory_space<hbm>> -> memref<64xf32, #tpu.memory_space<hbm>>
      %parallel_loop3A_871 = arith.constant 0 : i32
      %parallel_loop3A_872 = tpu.memref_slice %arg6[%parallel_loop3A_863, %parallel_loop3A_864, %parallel_loop3A_871] : memref<48x8x64xf32, #tpu.memory_space<vmem>> -> memref<1x1x64xf32, #tpu.memory_space<vmem>>
      %parallel_loop3A_873 = tpu.memref_squeeze %parallel_loop3A_872 : memref<1x1x64xf32, #tpu.memory_space<vmem>> -> memref<64xf32, #tpu.memory_space<vmem>>
      %parallel_loop3A_874 = arith.constant 0 : i32
      %parallel_loop3A_875 = tpu.memref_slice %arg3[%parallel_loop3A_857, %parallel_loop3A_859, %parallel_loop3A_874] : memref<12500x8x64xf32, #tpu.memory_space<hbm>> -> memref<1x1x64xf32, #tpu.memory_space<hbm>>
      %parallel_loop3A_876 = tpu.memref_squeeze %parallel_loop3A_875 : memref<1x1x64xf32, #tpu.memory_space<hbm>> -> memref<64xf32, #tpu.memory_space<hbm>>
      tpu.enqueue_dma source(%parallel_loop3A_876 : memref<64xf32, #tpu.memory_space<hbm>>) target(%parallel_loop3A_873 : memref<64xf32, #tpu.memory_space<vmem>>) target_semaphore(%arg9 : memref<!tpu.dma_semaphore, #tpu.memory_space<semaphore_mem>>)
      %parallel_loop3A_877 = vector.extract_strided_slice %parallel_loop3A_747 {offsets = [6], sizes = [1], strides = [1]} : vector<16xi32> to vector<1xi32>
      %parallel_loop3A_878 = vector.extract %parallel_loop3A_877[0] : i32 from vector<1xi32>
      %parallel_loop3A_879 = vector.extract_strided_slice %parallel_loop3A_750 {offsets = [6], sizes = [1], strides = [1]} : vector<16xi32> to vector<1xi32>
      %parallel_loop3A_880 = vector.extract %parallel_loop3A_879[0] : i32 from vector<1xi32>
      %parallel_loop3A_881 = arith.constant 2 : i32
      %parallel_loop3A_882 = arith.muli %parallel_loop3A_881, %parallel_loop3A_740 : i32
      %parallel_loop3A_883 = arith.constant 0 : i32
      %parallel_loop3A_884 = arith.addi %parallel_loop3A_882, %parallel_loop3A_883 : i32
      %parallel_loop3A_885 = arith.constant 6 : i32
      %parallel_loop3A_886 = arith.constant 0 : i32
      %parallel_loop3A_887 = tpu.memref_slice %arg6[%parallel_loop3A_884, %parallel_loop3A_885, %parallel_loop3A_886] : memref<48x8x64xf32, #tpu.memory_space<vmem>> -> memref<1x1x64xf32, #tpu.memory_space<vmem>>
      %parallel_loop3A_888 = tpu.memref_squeeze %parallel_loop3A_887 : memref<1x1x64xf32, #tpu.memory_space<vmem>> -> memref<64xf32, #tpu.memory_space<vmem>>
      %parallel_loop3A_889 = arith.constant 0 : i32
      %parallel_loop3A_890 = tpu.memref_slice %arg3[%parallel_loop3A_878, %parallel_loop3A_880, %parallel_loop3A_889] : memref<12500x8x64xf32, #tpu.memory_space<hbm>> -> memref<1x1x64xf32, #tpu.memory_space<hbm>>
      %parallel_loop3A_891 = tpu.memref_squeeze %parallel_loop3A_890 : memref<1x1x64xf32, #tpu.memory_space<hbm>> -> memref<64xf32, #tpu.memory_space<hbm>>
      %parallel_loop3A_892 = arith.constant 0 : i32
      %parallel_loop3A_893 = tpu.memref_slice %arg6[%parallel_loop3A_884, %parallel_loop3A_885, %parallel_loop3A_892] : memref<48x8x64xf32, #tpu.memory_space<vmem>> -> memref<1x1x64xf32, #tpu.memory_space<vmem>>
      %parallel_loop3A_894 = tpu.memref_squeeze %parallel_loop3A_893 : memref<1x1x64xf32, #tpu.memory_space<vmem>> -> memref<64xf32, #tpu.memory_space<vmem>>
      %parallel_loop3A_895 = arith.constant 0 : i32
      %parallel_loop3A_896 = tpu.memref_slice %arg3[%parallel_loop3A_878, %parallel_loop3A_880, %parallel_loop3A_895] : memref<12500x8x64xf32, #tpu.memory_space<hbm>> -> memref<1x1x64xf32, #tpu.memory_space<hbm>>
      %parallel_loop3A_897 = tpu.memref_squeeze %parallel_loop3A_896 : memref<1x1x64xf32, #tpu.memory_space<hbm>> -> memref<64xf32, #tpu.memory_space<hbm>>
      tpu.enqueue_dma source(%parallel_loop3A_897 : memref<64xf32, #tpu.memory_space<hbm>>) target(%parallel_loop3A_894 : memref<64xf32, #tpu.memory_space<vmem>>) target_semaphore(%arg9 : memref<!tpu.dma_semaphore, #tpu.memory_space<semaphore_mem>>)
      %parallel_loop3A_898 = vector.extract_strided_slice %parallel_loop3A_747 {offsets = [7], sizes = [1], strides = [1]} : vector<16xi32> to vector<1xi32>
      %parallel_loop3A_899 = vector.extract %parallel_loop3A_898[0] : i32 from vector<1xi32>
      %parallel_loop3A_900 = vector.extract_strided_slice %parallel_loop3A_750 {offsets = [7], sizes = [1], strides = [1]} : vector<16xi32> to vector<1xi32>
      %parallel_loop3A_901 = vector.extract %parallel_loop3A_900[0] : i32 from vector<1xi32>
      %parallel_loop3A_902 = arith.constant 2 : i32
      %parallel_loop3A_903 = arith.muli %parallel_loop3A_902, %parallel_loop3A_740 : i32
      %parallel_loop3A_904 = arith.constant 0 : i32
      %parallel_loop3A_905 = arith.addi %parallel_loop3A_903, %parallel_loop3A_904 : i32
      %parallel_loop3A_906 = arith.constant 7 : i32
      %parallel_loop3A_907 = arith.constant 0 : i32
      %parallel_loop3A_908 = tpu.memref_slice %arg6[%parallel_loop3A_905, %parallel_loop3A_906, %parallel_loop3A_907] : memref<48x8x64xf32, #tpu.memory_space<vmem>> -> memref<1x1x64xf32, #tpu.memory_space<vmem>>
      %parallel_loop3A_909 = tpu.memref_squeeze %parallel_loop3A_908 : memref<1x1x64xf32, #tpu.memory_space<vmem>> -> memref<64xf32, #tpu.memory_space<vmem>>
      %parallel_loop3A_910 = arith.constant 0 : i32
      %parallel_loop3A_911 = tpu.memref_slice %arg3[%parallel_loop3A_899, %parallel_loop3A_901, %parallel_loop3A_910] : memref<12500x8x64xf32, #tpu.memory_space<hbm>> -> memref<1x1x64xf32, #tpu.memory_space<hbm>>
      %parallel_loop3A_912 = tpu.memref_squeeze %parallel_loop3A_911 : memref<1x1x64xf32, #tpu.memory_space<hbm>> -> memref<64xf32, #tpu.memory_space<hbm>>
      %parallel_loop3A_913 = arith.constant 0 : i32
      %parallel_loop3A_914 = tpu.memref_slice %arg6[%parallel_loop3A_905, %parallel_loop3A_906, %parallel_loop3A_913] : memref<48x8x64xf32, #tpu.memory_space<vmem>> -> memref<1x1x64xf32, #tpu.memory_space<vmem>>
      %parallel_loop3A_915 = tpu.memref_squeeze %parallel_loop3A_914 : memref<1x1x64xf32, #tpu.memory_space<vmem>> -> memref<64xf32, #tpu.memory_space<vmem>>
      %parallel_loop3A_916 = arith.constant 0 : i32
      %parallel_loop3A_917 = tpu.memref_slice %arg3[%parallel_loop3A_899, %parallel_loop3A_901, %parallel_loop3A_916] : memref<12500x8x64xf32, #tpu.memory_space<hbm>> -> memref<1x1x64xf32, #tpu.memory_space<hbm>>
      %parallel_loop3A_918 = tpu.memref_squeeze %parallel_loop3A_917 : memref<1x1x64xf32, #tpu.memory_space<hbm>> -> memref<64xf32, #tpu.memory_space<hbm>>
      tpu.enqueue_dma source(%parallel_loop3A_918 : memref<64xf32, #tpu.memory_space<hbm>>) target(%parallel_loop3A_915 : memref<64xf32, #tpu.memory_space<vmem>>) target_semaphore(%arg9 : memref<!tpu.dma_semaphore, #tpu.memory_space<semaphore_mem>>)
      %parallel_loop3A_919 = vector.extract_strided_slice %parallel_loop3A_747 {offsets = [8], sizes = [1], strides = [1]} : vector<16xi32> to vector<1xi32>
      %parallel_loop3A_920 = vector.extract %parallel_loop3A_919[0] : i32 from vector<1xi32>
      %parallel_loop3A_921 = vector.extract_strided_slice %parallel_loop3A_750 {offsets = [8], sizes = [1], strides = [1]} : vector<16xi32> to vector<1xi32>
      %parallel_loop3A_922 = vector.extract %parallel_loop3A_921[0] : i32 from vector<1xi32>
      %parallel_loop3A_923 = arith.constant 2 : i32
      %parallel_loop3A_924 = arith.muli %parallel_loop3A_923, %parallel_loop3A_740 : i32
      %parallel_loop3A_925 = arith.constant 1 : i32
      %parallel_loop3A_926 = arith.addi %parallel_loop3A_924, %parallel_loop3A_925 : i32
      %parallel_loop3A_927 = arith.constant 0 : i32
      %parallel_loop3A_928 = arith.constant 0 : i32
      %parallel_loop3A_929 = tpu.memref_slice %arg6[%parallel_loop3A_926, %parallel_loop3A_927, %parallel_loop3A_928] : memref<48x8x64xf32, #tpu.memory_space<vmem>> -> memref<1x1x64xf32, #tpu.memory_space<vmem>>
      %parallel_loop3A_930 = tpu.memref_squeeze %parallel_loop3A_929 : memref<1x1x64xf32, #tpu.memory_space<vmem>> -> memref<64xf32, #tpu.memory_space<vmem>>
      %parallel_loop3A_931 = arith.constant 0 : i32
      %parallel_loop3A_932 = tpu.memref_slice %arg3[%parallel_loop3A_920, %parallel_loop3A_922, %parallel_loop3A_931] : memref<12500x8x64xf32, #tpu.memory_space<hbm>> -> memref<1x1x64xf32, #tpu.memory_space<hbm>>
      %parallel_loop3A_933 = tpu.memref_squeeze %parallel_loop3A_932 : memref<1x1x64xf32, #tpu.memory_space<hbm>> -> memref<64xf32, #tpu.memory_space<hbm>>
      %parallel_loop3A_934 = arith.constant 0 : i32
      %parallel_loop3A_935 = tpu.memref_slice %arg6[%parallel_loop3A_926, %parallel_loop3A_927, %parallel_loop3A_934] : memref<48x8x64xf32, #tpu.memory_space<vmem>> -> memref<1x1x64xf32, #tpu.memory_space<vmem>>
      %parallel_loop3A_936 = tpu.memref_squeeze %parallel_loop3A_935 : memref<1x1x64xf32, #tpu.memory_space<vmem>> -> memref<64xf32, #tpu.memory_space<vmem>>
      %parallel_loop3A_937 = arith.constant 0 : i32
      %parallel_loop3A_938 = tpu.memref_slice %arg3[%parallel_loop3A_920, %parallel_loop3A_922, %parallel_loop3A_937] : memref<12500x8x64xf32, #tpu.memory_space<hbm>> -> memref<1x1x64xf32, #tpu.memory_space<hbm>>
      %parallel_loop3A_939 = tpu.memref_squeeze %parallel_loop3A_938 : memref<1x1x64xf32, #tpu.memory_space<hbm>> -> memref<64xf32, #tpu.memory_space<hbm>>
      tpu.enqueue_dma source(%parallel_loop3A_939 : memref<64xf32, #tpu.memory_space<hbm>>) target(%parallel_loop3A_936 : memref<64xf32, #tpu.memory_space<vmem>>) target_semaphore(%arg9 : memref<!tpu.dma_semaphore, #tpu.memory_space<semaphore_mem>>)
      %parallel_loop3A_940 = vector.extract_strided_slice %parallel_loop3A_747 {offsets = [9], sizes = [1], strides = [1]} : vector<16xi32> to vector<1xi32>
      %parallel_loop3A_941 = vector.extract %parallel_loop3A_940[0] : i32 from vector<1xi32>
      %parallel_loop3A_942 = vector.extract_strided_slice %parallel_loop3A_750 {offsets = [9], sizes = [1], strides = [1]} : vector<16xi32> to vector<1xi32>
      %parallel_loop3A_943 = vector.extract %parallel_loop3A_942[0] : i32 from vector<1xi32>
      %parallel_loop3A_944 = arith.constant 2 : i32
      %parallel_loop3A_945 = arith.muli %parallel_loop3A_944, %parallel_loop3A_740 : i32
      %parallel_loop3A_946 = arith.constant 1 : i32
      %parallel_loop3A_947 = arith.addi %parallel_loop3A_945, %parallel_loop3A_946 : i32
      %parallel_loop3A_948 = arith.constant 1 : i32
      %parallel_loop3A_949 = arith.constant 0 : i32
      %parallel_loop3A_950 = tpu.memref_slice %arg6[%parallel_loop3A_947, %parallel_loop3A_948, %parallel_loop3A_949] : memref<48x8x64xf32, #tpu.memory_space<vmem>> -> memref<1x1x64xf32, #tpu.memory_space<vmem>>
      %parallel_loop3A_951 = tpu.memref_squeeze %parallel_loop3A_950 : memref<1x1x64xf32, #tpu.memory_space<vmem>> -> memref<64xf32, #tpu.memory_space<vmem>>
      %parallel_loop3A_952 = arith.constant 0 : i32
      %parallel_loop3A_953 = tpu.memref_slice %arg3[%parallel_loop3A_941, %parallel_loop3A_943, %parallel_loop3A_952] : memref<12500x8x64xf32, #tpu.memory_space<hbm>> -> memref<1x1x64xf32, #tpu.memory_space<hbm>>
      %parallel_loop3A_954 = tpu.memref_squeeze %parallel_loop3A_953 : memref<1x1x64xf32, #tpu.memory_space<hbm>> -> memref<64xf32, #tpu.memory_space<hbm>>
      %parallel_loop3A_955 = arith.constant 0 : i32
      %parallel_loop3A_956 = tpu.memref_slice %arg6[%parallel_loop3A_947, %parallel_loop3A_948, %parallel_loop3A_955] : memref<48x8x64xf32, #tpu.memory_space<vmem>> -> memref<1x1x64xf32, #tpu.memory_space<vmem>>
      %parallel_loop3A_957 = tpu.memref_squeeze %parallel_loop3A_956 : memref<1x1x64xf32, #tpu.memory_space<vmem>> -> memref<64xf32, #tpu.memory_space<vmem>>
      %parallel_loop3A_958 = arith.constant 0 : i32
      %parallel_loop3A_959 = tpu.memref_slice %arg3[%parallel_loop3A_941, %parallel_loop3A_943, %parallel_loop3A_958] : memref<12500x8x64xf32, #tpu.memory_space<hbm>> -> memref<1x1x64xf32, #tpu.memory_space<hbm>>
      %parallel_loop3A_960 = tpu.memref_squeeze %parallel_loop3A_959 : memref<1x1x64xf32, #tpu.memory_space<hbm>> -> memref<64xf32, #tpu.memory_space<hbm>>
      tpu.enqueue_dma source(%parallel_loop3A_960 : memref<64xf32, #tpu.memory_space<hbm>>) target(%parallel_loop3A_957 : memref<64xf32, #tpu.memory_space<vmem>>) target_semaphore(%arg9 : memref<!tpu.dma_semaphore, #tpu.memory_space<semaphore_mem>>)
      %parallel_loop3A_961 = vector.extract_strided_slice %parallel_loop3A_747 {offsets = [10], sizes = [1], strides = [1]} : vector<16xi32> to vector<1xi32>
      %parallel_loop3A_962 = vector.extract %parallel_loop3A_961[0] : i32 from vector<1xi32>
      %parallel_loop3A_963 = vector.extract_strided_slice %parallel_loop3A_750 {offsets = [10], sizes = [1], strides = [1]} : vector<16xi32> to vector<1xi32>
      %parallel_loop3A_964 = vector.extract %parallel_loop3A_963[0] : i32 from vector<1xi32>
      %parallel_loop3A_965 = arith.constant 2 : i32
      %parallel_loop3A_966 = arith.muli %parallel_loop3A_965, %parallel_loop3A_740 : i32
      %parallel_loop3A_967 = arith.constant 1 : i32
      %parallel_loop3A_968 = arith.addi %parallel_loop3A_966, %parallel_loop3A_967 : i32
      %parallel_loop3A_969 = arith.constant 2 : i32
      %parallel_loop3A_970 = arith.constant 0 : i32
      %parallel_loop3A_971 = tpu.memref_slice %arg6[%parallel_loop3A_968, %parallel_loop3A_969, %parallel_loop3A_970] : memref<48x8x64xf32, #tpu.memory_space<vmem>> -> memref<1x1x64xf32, #tpu.memory_space<vmem>>
      %parallel_loop3A_972 = tpu.memref_squeeze %parallel_loop3A_971 : memref<1x1x64xf32, #tpu.memory_space<vmem>> -> memref<64xf32, #tpu.memory_space<vmem>>
      %parallel_loop3A_973 = arith.constant 0 : i32
      %parallel_loop3A_974 = tpu.memref_slice %arg3[%parallel_loop3A_962, %parallel_loop3A_964, %parallel_loop3A_973] : memref<12500x8x64xf32, #tpu.memory_space<hbm>> -> memref<1x1x64xf32, #tpu.memory_space<hbm>>
      %parallel_loop3A_975 = tpu.memref_squeeze %parallel_loop3A_974 : memref<1x1x64xf32, #tpu.memory_space<hbm>> -> memref<64xf32, #tpu.memory_space<hbm>>
      %parallel_loop3A_976 = arith.constant 0 : i32
      %parallel_loop3A_977 = tpu.memref_slice %arg6[%parallel_loop3A_968, %parallel_loop3A_969, %parallel_loop3A_976] : memref<48x8x64xf32, #tpu.memory_space<vmem>> -> memref<1x1x64xf32, #tpu.memory_space<vmem>>
      %parallel_loop3A_978 = tpu.memref_squeeze %parallel_loop3A_977 : memref<1x1x64xf32, #tpu.memory_space<vmem>> -> memref<64xf32, #tpu.memory_space<vmem>>
      %parallel_loop3A_979 = arith.constant 0 : i32
      %parallel_loop3A_980 = tpu.memref_slice %arg3[%parallel_loop3A_962, %parallel_loop3A_964, %parallel_loop3A_979] : memref<12500x8x64xf32, #tpu.memory_space<hbm>> -> memref<1x1x64xf32, #tpu.memory_space<hbm>>
      %parallel_loop3A_981 = tpu.memref_squeeze %parallel_loop3A_980 : memref<1x1x64xf32, #tpu.memory_space<hbm>> -> memref<64xf32, #tpu.memory_space<hbm>>
      tpu.enqueue_dma source(%parallel_loop3A_981 : memref<64xf32, #tpu.memory_space<hbm>>) target(%parallel_loop3A_978 : memref<64xf32, #tpu.memory_space<vmem>>) target_semaphore(%arg9 : memref<!tpu.dma_semaphore, #tpu.memory_space<semaphore_mem>>)
      %parallel_loop3A_982 = vector.extract_strided_slice %parallel_loop3A_747 {offsets = [11], sizes = [1], strides = [1]} : vector<16xi32> to vector<1xi32>
      %parallel_loop3A_983 = vector.extract %parallel_loop3A_982[0] : i32 from vector<1xi32>
      %parallel_loop3A_984 = vector.extract_strided_slice %parallel_loop3A_750 {offsets = [11], sizes = [1], strides = [1]} : vector<16xi32> to vector<1xi32>
      %parallel_loop3A_985 = vector.extract %parallel_loop3A_984[0] : i32 from vector<1xi32>
      %parallel_loop3A_986 = arith.constant 2 : i32
      %parallel_loop3A_987 = arith.muli %parallel_loop3A_986, %parallel_loop3A_740 : i32
      %parallel_loop3A_988 = arith.constant 1 : i32
      %parallel_loop3A_989 = arith.addi %parallel_loop3A_987, %parallel_loop3A_988 : i32
      %parallel_loop3A_990 = arith.constant 3 : i32
      %parallel_loop3A_991 = arith.constant 0 : i32
      %parallel_loop3A_992 = tpu.memref_slice %arg6[%parallel_loop3A_989, %parallel_loop3A_990, %parallel_loop3A_991] : memref<48x8x64xf32, #tpu.memory_space<vmem>> -> memref<1x1x64xf32, #tpu.memory_space<vmem>>
      %parallel_loop3A_993 = tpu.memref_squeeze %parallel_loop3A_992 : memref<1x1x64xf32, #tpu.memory_space<vmem>> -> memref<64xf32, #tpu.memory_space<vmem>>
      %parallel_loop3A_994 = arith.constant 0 : i32
      %parallel_loop3A_995 = tpu.memref_slice %arg3[%parallel_loop3A_983, %parallel_loop3A_985, %parallel_loop3A_994] : memref<12500x8x64xf32, #tpu.memory_space<hbm>> -> memref<1x1x64xf32, #tpu.memory_space<hbm>>
      %parallel_loop3A_996 = tpu.memref_squeeze %parallel_loop3A_995 : memref<1x1x64xf32, #tpu.memory_space<hbm>> -> memref<64xf32, #tpu.memory_space<hbm>>
      %parallel_loop3A_997 = arith.constant 0 : i32
      %parallel_loop3A_998 = tpu.memref_slice %arg6[%parallel_loop3A_989, %parallel_loop3A_990, %parallel_loop3A_997] : memref<48x8x64xf32, #tpu.memory_space<vmem>> -> memref<1x1x64xf32, #tpu.memory_space<vmem>>
      %parallel_loop3A_999 = tpu.memref_squeeze %parallel_loop3A_998 : memref<1x1x64xf32, #tpu.memory_space<vmem>> -> memref<64xf32, #tpu.memory_space<vmem>>
      %parallel_loop3A_1000 = arith.constant 0 : i32
      %parallel_loop3A_1001 = tpu.memref_slice %arg3[%parallel_loop3A_983, %parallel_loop3A_985, %parallel_loop3A_1000] : memref<12500x8x64xf32, #tpu.memory_space<hbm>> -> memref<1x1x64xf32, #tpu.memory_space<hbm>>
      %parallel_loop3A_1002 = tpu.memref_squeeze %parallel_loop3A_1001 : memref<1x1x64xf32, #tpu.memory_space<hbm>> -> memref<64xf32, #tpu.memory_space<hbm>>
      tpu.enqueue_dma source(%parallel_loop3A_1002 : memref<64xf32, #tpu.memory_space<hbm>>) target(%parallel_loop3A_999 : memref<64xf32, #tpu.memory_space<vmem>>) target_semaphore(%arg9 : memref<!tpu.dma_semaphore, #tpu.memory_space<semaphore_mem>>)
      %parallel_loop3A_1003 = vector.extract_strided_slice %parallel_loop3A_747 {offsets = [12], sizes = [1], strides = [1]} : vector<16xi32> to vector<1xi32>
      %parallel_loop3A_1004 = vector.extract %parallel_loop3A_1003[0] : i32 from vector<1xi32>
      %parallel_loop3A_1005 = vector.extract_strided_slice %parallel_loop3A_750 {offsets = [12], sizes = [1], strides = [1]} : vector<16xi32> to vector<1xi32>
      %parallel_loop3A_1006 = vector.extract %parallel_loop3A_1005[0] : i32 from vector<1xi32>
      %parallel_loop3A_1007 = arith.constant 2 : i32
      %parallel_loop3A_1008 = arith.muli %parallel_loop3A_1007, %parallel_loop3A_740 : i32
      %parallel_loop3A_1009 = arith.constant 1 : i32
      %parallel_loop3A_1010 = arith.addi %parallel_loop3A_1008, %parallel_loop3A_1009 : i32
      %parallel_loop3A_1011 = arith.constant 4 : i32
      %parallel_loop3A_1012 = arith.constant 0 : i32
      %parallel_loop3A_1013 = tpu.memref_slice %arg6[%parallel_loop3A_1010, %parallel_loop3A_1011, %parallel_loop3A_1012] : memref<48x8x64xf32, #tpu.memory_space<vmem>> -> memref<1x1x64xf32, #tpu.memory_space<vmem>>
      %parallel_loop3A_1014 = tpu.memref_squeeze %parallel_loop3A_1013 : memref<1x1x64xf32, #tpu.memory_space<vmem>> -> memref<64xf32, #tpu.memory_space<vmem>>
      %parallel_loop3A_1015 = arith.constant 0 : i32
      %parallel_loop3A_1016 = tpu.memref_slice %arg3[%parallel_loop3A_1004, %parallel_loop3A_1006, %parallel_loop3A_1015] : memref<12500x8x64xf32, #tpu.memory_space<hbm>> -> memref<1x1x64xf32, #tpu.memory_space<hbm>>
      %parallel_loop3A_1017 = tpu.memref_squeeze %parallel_loop3A_1016 : memref<1x1x64xf32, #tpu.memory_space<hbm>> -> memref<64xf32, #tpu.memory_space<hbm>>
      %parallel_loop3A_1018 = arith.constant 0 : i32
      %parallel_loop3A_1019 = tpu.memref_slice %arg6[%parallel_loop3A_1010, %parallel_loop3A_1011, %parallel_loop3A_1018] : memref<48x8x64xf32, #tpu.memory_space<vmem>> -> memref<1x1x64xf32, #tpu.memory_space<vmem>>
      %parallel_loop3A_1020 = tpu.memref_squeeze %parallel_loop3A_1019 : memref<1x1x64xf32, #tpu.memory_space<vmem>> -> memref<64xf32, #tpu.memory_space<vmem>>
      %parallel_loop3A_1021 = arith.constant 0 : i32
      %parallel_loop3A_1022 = tpu.memref_slice %arg3[%parallel_loop3A_1004, %parallel_loop3A_1006, %parallel_loop3A_1021] : memref<12500x8x64xf32, #tpu.memory_space<hbm>> -> memref<1x1x64xf32, #tpu.memory_space<hbm>>
      %parallel_loop3A_1023 = tpu.memref_squeeze %parallel_loop3A_1022 : memref<1x1x64xf32, #tpu.memory_space<hbm>> -> memref<64xf32, #tpu.memory_space<hbm>>
      tpu.enqueue_dma source(%parallel_loop3A_1023 : memref<64xf32, #tpu.memory_space<hbm>>) target(%parallel_loop3A_1020 : memref<64xf32, #tpu.memory_space<vmem>>) target_semaphore(%arg9 : memref<!tpu.dma_semaphore, #tpu.memory_space<semaphore_mem>>)
      %parallel_loop3A_1024 = vector.extract_strided_slice %parallel_loop3A_747 {offsets = [13], sizes = [1], strides = [1]} : vector<16xi32> to vector<1xi32>
      %parallel_loop3A_1025 = vector.extract %parallel_loop3A_1024[0] : i32 from vector<1xi32>
      %parallel_loop3A_1026 = vector.extract_strided_slice %parallel_loop3A_750 {offsets = [13], sizes = [1], strides = [1]} : vector<16xi32> to vector<1xi32>
      %parallel_loop3A_1027 = vector.extract %parallel_loop3A_1026[0] : i32 from vector<1xi32>
      %parallel_loop3A_1028 = arith.constant 2 : i32
      %parallel_loop3A_1029 = arith.muli %parallel_loop3A_1028, %parallel_loop3A_740 : i32
      %parallel_loop3A_1030 = arith.constant 1 : i32
      %parallel_loop3A_1031 = arith.addi %parallel_loop3A_1029, %parallel_loop3A_1030 : i32
      %parallel_loop3A_1032 = arith.constant 5 : i32
      %parallel_loop3A_1033 = arith.constant 0 : i32
      %parallel_loop3A_1034 = tpu.memref_slice %arg6[%parallel_loop3A_1031, %parallel_loop3A_1032, %parallel_loop3A_1033] : memref<48x8x64xf32, #tpu.memory_space<vmem>> -> memref<1x1x64xf32, #tpu.memory_space<vmem>>
      %parallel_loop3A_1035 = tpu.memref_squeeze %parallel_loop3A_1034 : memref<1x1x64xf32, #tpu.memory_space<vmem>> -> memref<64xf32, #tpu.memory_space<vmem>>
      %parallel_loop3A_1036 = arith.constant 0 : i32
      %parallel_loop3A_1037 = tpu.memref_slice %arg3[%parallel_loop3A_1025, %parallel_loop3A_1027, %parallel_loop3A_1036] : memref<12500x8x64xf32, #tpu.memory_space<hbm>> -> memref<1x1x64xf32, #tpu.memory_space<hbm>>
      %parallel_loop3A_1038 = tpu.memref_squeeze %parallel_loop3A_1037 : memref<1x1x64xf32, #tpu.memory_space<hbm>> -> memref<64xf32, #tpu.memory_space<hbm>>
      %parallel_loop3A_1039 = arith.constant 0 : i32
      %parallel_loop3A_1040 = tpu.memref_slice %arg6[%parallel_loop3A_1031, %parallel_loop3A_1032, %parallel_loop3A_1039] : memref<48x8x64xf32, #tpu.memory_space<vmem>> -> memref<1x1x64xf32, #tpu.memory_space<vmem>>
      %parallel_loop3A_1041 = tpu.memref_squeeze %parallel_loop3A_1040 : memref<1x1x64xf32, #tpu.memory_space<vmem>> -> memref<64xf32, #tpu.memory_space<vmem>>
      %parallel_loop3A_1042 = arith.constant 0 : i32
      %parallel_loop3A_1043 = tpu.memref_slice %arg3[%parallel_loop3A_1025, %parallel_loop3A_1027, %parallel_loop3A_1042] : memref<12500x8x64xf32, #tpu.memory_space<hbm>> -> memref<1x1x64xf32, #tpu.memory_space<hbm>>
      %parallel_loop3A_1044 = tpu.memref_squeeze %parallel_loop3A_1043 : memref<1x1x64xf32, #tpu.memory_space<hbm>> -> memref<64xf32, #tpu.memory_space<hbm>>
      tpu.enqueue_dma source(%parallel_loop3A_1044 : memref<64xf32, #tpu.memory_space<hbm>>) target(%parallel_loop3A_1041 : memref<64xf32, #tpu.memory_space<vmem>>) target_semaphore(%arg9 : memref<!tpu.dma_semaphore, #tpu.memory_space<semaphore_mem>>)
      %parallel_loop3A_1045 = vector.extract_strided_slice %parallel_loop3A_747 {offsets = [14], sizes = [1], strides = [1]} : vector<16xi32> to vector<1xi32>
      %parallel_loop3A_1046 = vector.extract %parallel_loop3A_1045[0] : i32 from vector<1xi32>
      %parallel_loop3A_1047 = vector.extract_strided_slice %parallel_loop3A_750 {offsets = [14], sizes = [1], strides = [1]} : vector<16xi32> to vector<1xi32>
      %parallel_loop3A_1048 = vector.extract %parallel_loop3A_1047[0] : i32 from vector<1xi32>
      %parallel_loop3A_1049 = arith.constant 2 : i32
      %parallel_loop3A_1050 = arith.muli %parallel_loop3A_1049, %parallel_loop3A_740 : i32
      %parallel_loop3A_1051 = arith.constant 1 : i32
      %parallel_loop3A_1052 = arith.addi %parallel_loop3A_1050, %parallel_loop3A_1051 : i32
      %parallel_loop3A_1053 = arith.constant 6 : i32
      %parallel_loop3A_1054 = arith.constant 0 : i32
      %parallel_loop3A_1055 = tpu.memref_slice %arg6[%parallel_loop3A_1052, %parallel_loop3A_1053, %parallel_loop3A_1054] : memref<48x8x64xf32, #tpu.memory_space<vmem>> -> memref<1x1x64xf32, #tpu.memory_space<vmem>>
      %parallel_loop3A_1056 = tpu.memref_squeeze %parallel_loop3A_1055 : memref<1x1x64xf32, #tpu.memory_space<vmem>> -> memref<64xf32, #tpu.memory_space<vmem>>
      %parallel_loop3A_1057 = arith.constant 0 : i32
      %parallel_loop3A_1058 = tpu.memref_slice %arg3[%parallel_loop3A_1046, %parallel_loop3A_1048, %parallel_loop3A_1057] : memref<12500x8x64xf32, #tpu.memory_space<hbm>> -> memref<1x1x64xf32, #tpu.memory_space<hbm>>
      %parallel_loop3A_1059 = tpu.memref_squeeze %parallel_loop3A_1058 : memref<1x1x64xf32, #tpu.memory_space<hbm>> -> memref<64xf32, #tpu.memory_space<hbm>>
      %parallel_loop3A_1060 = arith.constant 0 : i32
      %parallel_loop3A_1061 = tpu.memref_slice %arg6[%parallel_loop3A_1052, %parallel_loop3A_1053, %parallel_loop3A_1060] : memref<48x8x64xf32, #tpu.memory_space<vmem>> -> memref<1x1x64xf32, #tpu.memory_space<vmem>>
      %parallel_loop3A_1062 = tpu.memref_squeeze %parallel_loop3A_1061 : memref<1x1x64xf32, #tpu.memory_space<vmem>> -> memref<64xf32, #tpu.memory_space<vmem>>
      %parallel_loop3A_1063 = arith.constant 0 : i32
      %parallel_loop3A_1064 = tpu.memref_slice %arg3[%parallel_loop3A_1046, %parallel_loop3A_1048, %parallel_loop3A_1063] : memref<12500x8x64xf32, #tpu.memory_space<hbm>> -> memref<1x1x64xf32, #tpu.memory_space<hbm>>
      %parallel_loop3A_1065 = tpu.memref_squeeze %parallel_loop3A_1064 : memref<1x1x64xf32, #tpu.memory_space<hbm>> -> memref<64xf32, #tpu.memory_space<hbm>>
      tpu.enqueue_dma source(%parallel_loop3A_1065 : memref<64xf32, #tpu.memory_space<hbm>>) target(%parallel_loop3A_1062 : memref<64xf32, #tpu.memory_space<vmem>>) target_semaphore(%arg9 : memref<!tpu.dma_semaphore, #tpu.memory_space<semaphore_mem>>)
      %parallel_loop3A_1066 = vector.extract_strided_slice %parallel_loop3A_747 {offsets = [15], sizes = [1], strides = [1]} : vector<16xi32> to vector<1xi32>
      %parallel_loop3A_1067 = vector.extract %parallel_loop3A_1066[0] : i32 from vector<1xi32>
      %parallel_loop3A_1068 = vector.extract_strided_slice %parallel_loop3A_750 {offsets = [15], sizes = [1], strides = [1]} : vector<16xi32> to vector<1xi32>
      %parallel_loop3A_1069 = vector.extract %parallel_loop3A_1068[0] : i32 from vector<1xi32>
      %parallel_loop3A_1070 = arith.constant 2 : i32
      %parallel_loop3A_1071 = arith.muli %parallel_loop3A_1070, %parallel_loop3A_740 : i32
      %parallel_loop3A_1072 = arith.constant 1 : i32
      %parallel_loop3A_1073 = arith.addi %parallel_loop3A_1071, %parallel_loop3A_1072 : i32
      %parallel_loop3A_1074 = arith.constant 7 : i32
      %parallel_loop3A_1075 = arith.constant 0 : i32
      %parallel_loop3A_1076 = tpu.memref_slice %arg6[%parallel_loop3A_1073, %parallel_loop3A_1074, %parallel_loop3A_1075] : memref<48x8x64xf32, #tpu.memory_space<vmem>> -> memref<1x1x64xf32, #tpu.memory_space<vmem>>
      %parallel_loop3A_1077 = tpu.memref_squeeze %parallel_loop3A_1076 : memref<1x1x64xf32, #tpu.memory_space<vmem>> -> memref<64xf32, #tpu.memory_space<vmem>>
      %parallel_loop3A_1078 = arith.constant 0 : i32
      %parallel_loop3A_1079 = tpu.memref_slice %arg3[%parallel_loop3A_1067, %parallel_loop3A_1069, %parallel_loop3A_1078] : memref<12500x8x64xf32, #tpu.memory_space<hbm>> -> memref<1x1x64xf32, #tpu.memory_space<hbm>>
      %parallel_loop3A_1080 = tpu.memref_squeeze %parallel_loop3A_1079 : memref<1x1x64xf32, #tpu.memory_space<hbm>> -> memref<64xf32, #tpu.memory_space<hbm>>
      %parallel_loop3A_1081 = arith.constant 0 : i32
      %parallel_loop3A_1082 = tpu.memref_slice %arg6[%parallel_loop3A_1073, %parallel_loop3A_1074, %parallel_loop3A_1081] : memref<48x8x64xf32, #tpu.memory_space<vmem>> -> memref<1x1x64xf32, #tpu.memory_space<vmem>>
      %parallel_loop3A_1083 = tpu.memref_squeeze %parallel_loop3A_1082 : memref<1x1x64xf32, #tpu.memory_space<vmem>> -> memref<64xf32, #tpu.memory_space<vmem>>
      %parallel_loop3A_1084 = arith.constant 0 : i32
      %parallel_loop3A_1085 = tpu.memref_slice %arg3[%parallel_loop3A_1067, %parallel_loop3A_1069, %parallel_loop3A_1084] : memref<12500x8x64xf32, #tpu.memory_space<hbm>> -> memref<1x1x64xf32, #tpu.memory_space<hbm>>
      %parallel_loop3A_1086 = tpu.memref_squeeze %parallel_loop3A_1085 : memref<1x1x64xf32, #tpu.memory_space<hbm>> -> memref<64xf32, #tpu.memory_space<hbm>>
      tpu.enqueue_dma source(%parallel_loop3A_1086 : memref<64xf32, #tpu.memory_space<hbm>>) target(%parallel_loop3A_1083 : memref<64xf32, #tpu.memory_space<vmem>>) target_semaphore(%arg9 : memref<!tpu.dma_semaphore, #tpu.memory_space<semaphore_mem>>)
    } {sc.loop_unroll_factor = 1 : i64, sc.parallel_access}
    %dma_wait3A = arith.constant 0 : i32
    %dma_wait3A_7 = arith.constant 0 : i32
    %dma_wait3A_8 = arith.constant 0 : i32
    %dma_wait3A_9 = tpu.memref_slice %arg3[%dma_wait3A, %dma_wait3A_7, %dma_wait3A_8] : memref<12500x8x64xf32, #tpu.memory_space<hbm>> -> memref<48x8x64xf32, #tpu.memory_space<hbm>>
    %dma_wait3A_10 = arith.constant 0 : i32
    %dma_wait3A_11 = arith.constant 0 : i32
    %dma_wait3A_12 = arith.constant 0 : i32
    %dma_wait3A_13 = tpu.memref_slice %arg3[%dma_wait3A_10, %dma_wait3A_11, %dma_wait3A_12] : memref<12500x8x64xf32, #tpu.memory_space<hbm>> -> memref<48x8x64xf32, #tpu.memory_space<hbm>>
    tpu.wait_dma2 semaphore(%arg9 : memref<!tpu.dma_semaphore, #tpu.memory_space<semaphore_mem>>) src(%dma_wait3A_13 : memref<48x8x64xf32, #tpu.memory_space<hbm>>) dst(%arg6 : memref<48x8x64xf32, #tpu.memory_space<vmem>>)
    %iota3A = tpu.iota {dimensions = array<i32: 0>} : vector<16xi32>
    %parallel_loop3A_14 = arith.constant 0 : i32
    %parallel_loop3A_15 = arith.constant 128 : i32
    %parallel_loop3A_16 = arith.constant 1 : i32
    scf.for %parallel_loop3A_740 = %parallel_loop3A_14 to %parallel_loop3A_15 step %parallel_loop3A_16  : i32 {
      %parallel_loop3A_741 = arith.constant 3 : i32
      %parallel_loop3A_742 = arith.muli %parallel_loop3A_741, %parallel_loop3A_740 : i32
      %parallel_loop3A_743 = arith.constant 3 : i32
      %parallel_loop3A_744 = arith.shrui %parallel_loop3A_742, %parallel_loop3A_743 : i32
      %parallel_loop3A_745 = arith.constant 7 : i32
      %parallel_loop3A_746 = arith.andi %parallel_loop3A_742, %parallel_loop3A_745 : i32
      %parallel_loop3A_747 = arith.index_cast %parallel_loop3A_744 : i32 to index
      %parallel_loop3A_748 = arith.index_cast %parallel_loop3A_746 : i32 to index
      %parallel_loop3A_749 = arith.constant 0 : index
      %parallel_loop3A_750 = tpu.vector_load %arg6[%parallel_loop3A_747, %parallel_loop3A_748, %parallel_loop3A_749] {strides = array<i32>} : memref<48x8x64xf32, #tpu.memory_space<vmem>>, vector<16xf32>,
      %parallel_loop3A_751 = arith.constant 1 : i32
      %parallel_loop3A_752 = arith.addi %parallel_loop3A_742, %parallel_loop3A_751 : i32
      %parallel_loop3A_753 = arith.constant 3 : i32
      %parallel_loop3A_754 = arith.shrui %parallel_loop3A_752, %parallel_loop3A_753 : i32
      %parallel_loop3A_755 = arith.constant 1 : i32
      %parallel_loop3A_756 = arith.addi %parallel_loop3A_742, %parallel_loop3A_755 : i32
      %parallel_loop3A_757 = arith.constant 7 : i32
      %parallel_loop3A_758 = arith.andi %parallel_loop3A_756, %parallel_loop3A_757 : i32
      %parallel_loop3A_759 = arith.index_cast %parallel_loop3A_754 : i32 to index
      %parallel_loop3A_760 = arith.index_cast %parallel_loop3A_758 : i32 to index
      %parallel_loop3A_761 = arith.constant 0 : index
      %parallel_loop3A_762 = tpu.vector_load %arg6[%parallel_loop3A_759, %parallel_loop3A_760, %parallel_loop3A_761] {strides = array<i32>} : memref<48x8x64xf32, #tpu.memory_space<vmem>>, vector<16xf32>,
      %parallel_loop3A_763 = arith.mulf %parallel_loop3A_750, %parallel_loop3A_762 : vector<16xf32>
      %parallel_loop3A_764 = arith.constant 2 : i32
      %parallel_loop3A_765 = arith.addi %parallel_loop3A_742, %parallel_loop3A_764 : i32
      %parallel_loop3A_766 = arith.constant 3 : i32
      %parallel_loop3A_767 = arith.shrui %parallel_loop3A_765, %parallel_loop3A_766 : i32
      %parallel_loop3A_768 = arith.constant 2 : i32
      %parallel_loop3A_769 = arith.addi %parallel_loop3A_742, %parallel_loop3A_768 : i32
      %parallel_loop3A_770 = arith.constant 7 : i32
      %parallel_loop3A_771 = arith.andi %parallel_loop3A_769, %parallel_loop3A_770 : i32
      %parallel_loop3A_772 = arith.index_cast %parallel_loop3A_767 : i32 to index
      %parallel_loop3A_773 = arith.index_cast %parallel_loop3A_771 : i32 to index
      %parallel_loop3A_774 = arith.constant 0 : index
      %parallel_loop3A_775 = tpu.vector_load %arg6[%parallel_loop3A_772, %parallel_loop3A_773, %parallel_loop3A_774] {strides = array<i32>} : memref<48x8x64xf32, #tpu.memory_space<vmem>>, vector<16xf32>,
      %parallel_loop3A_776 = arith.mulf %parallel_loop3A_763, %parallel_loop3A_775 : vector<16xf32>
      %parallel_loop3A_777 = arith.constant 3 : i32
      %parallel_loop3A_778 = arith.shrui %parallel_loop3A_742, %parallel_loop3A_777 : i32
      %parallel_loop3A_779 = arith.constant 7 : i32
      %parallel_loop3A_780 = arith.andi %parallel_loop3A_742, %parallel_loop3A_779 : i32
      %parallel_loop3A_781 = arith.index_cast %parallel_loop3A_778 : i32 to index
      %parallel_loop3A_782 = arith.index_cast %parallel_loop3A_780 : i32 to index
      %parallel_loop3A_783 = arith.constant 16 : index
      %parallel_loop3A_784 = tpu.vector_load %arg6[%parallel_loop3A_781, %parallel_loop3A_782, %parallel_loop3A_783] {strides = array<i32>} : memref<48x8x64xf32, #tpu.memory_space<vmem>>, vector<16xf32>,
      %parallel_loop3A_785 = arith.constant 1 : i32
      %parallel_loop3A_786 = arith.addi %parallel_loop3A_742, %parallel_loop3A_785 : i32
      %parallel_loop3A_787 = arith.constant 3 : i32
      %parallel_loop3A_788 = arith.shrui %parallel_loop3A_786, %parallel_loop3A_787 : i32
      %parallel_loop3A_789 = arith.constant 1 : i32
      %parallel_loop3A_790 = arith.addi %parallel_loop3A_742, %parallel_loop3A_789 : i32
      %parallel_loop3A_791 = arith.constant 7 : i32
      %parallel_loop3A_792 = arith.andi %parallel_loop3A_790, %parallel_loop3A_791 : i32
      %parallel_loop3A_793 = arith.index_cast %parallel_loop3A_788 : i32 to index
      %parallel_loop3A_794 = arith.index_cast %parallel_loop3A_792 : i32 to index
      %parallel_loop3A_795 = arith.constant 16 : index
      %parallel_loop3A_796 = tpu.vector_load %arg6[%parallel_loop3A_793, %parallel_loop3A_794, %parallel_loop3A_795] {strides = array<i32>} : memref<48x8x64xf32, #tpu.memory_space<vmem>>, vector<16xf32>,
      %parallel_loop3A_797 = arith.mulf %parallel_loop3A_784, %parallel_loop3A_796 : vector<16xf32>
      %parallel_loop3A_798 = arith.constant 2 : i32
      %parallel_loop3A_799 = arith.addi %parallel_loop3A_742, %parallel_loop3A_798 : i32
      %parallel_loop3A_800 = arith.constant 3 : i32
      %parallel_loop3A_801 = arith.shrui %parallel_loop3A_799, %parallel_loop3A_800 : i32
      %parallel_loop3A_802 = arith.constant 2 : i32
      %parallel_loop3A_803 = arith.addi %parallel_loop3A_742, %parallel_loop3A_802 : i32
      %parallel_loop3A_804 = arith.constant 7 : i32
      %parallel_loop3A_805 = arith.andi %parallel_loop3A_803, %parallel_loop3A_804 : i32
      %parallel_loop3A_806 = arith.index_cast %parallel_loop3A_801 : i32 to index
      %parallel_loop3A_807 = arith.index_cast %parallel_loop3A_805 : i32 to index
      %parallel_loop3A_808 = arith.constant 16 : index
      %parallel_loop3A_809 = tpu.vector_load %arg6[%parallel_loop3A_806, %parallel_loop3A_807, %parallel_loop3A_808] {strides = array<i32>} : memref<48x8x64xf32, #tpu.memory_space<vmem>>, vector<16xf32>,
      %parallel_loop3A_810 = arith.mulf %parallel_loop3A_797, %parallel_loop3A_809 : vector<16xf32>
      %parallel_loop3A_811 = arith.addf %parallel_loop3A_776, %parallel_loop3A_810 : vector<16xf32>
      %parallel_loop3A_812 = arith.constant 3 : i32
      %parallel_loop3A_813 = arith.shrui %parallel_loop3A_742, %parallel_loop3A_812 : i32
      %parallel_loop3A_814 = arith.constant 7 : i32
      %parallel_loop3A_815 = arith.andi %parallel_loop3A_742, %parallel_loop3A_814 : i32
      %parallel_loop3A_816 = arith.index_cast %parallel_loop3A_813 : i32 to index
      %parallel_loop3A_817 = arith.index_cast %parallel_loop3A_815 : i32 to index
      %parallel_loop3A_818 = arith.constant 32 : index
      %parallel_loop3A_819 = tpu.vector_load %arg6[%parallel_loop3A_816, %parallel_loop3A_817, %parallel_loop3A_818] {strides = array<i32>} : memref<48x8x64xf32, #tpu.memory_space<vmem>>, vector<16xf32>,
      %parallel_loop3A_820 = arith.constant 1 : i32
      %parallel_loop3A_821 = arith.addi %parallel_loop3A_742, %parallel_loop3A_820 : i32
      %parallel_loop3A_822 = arith.constant 3 : i32
      %parallel_loop3A_823 = arith.shrui %parallel_loop3A_821, %parallel_loop3A_822 : i32
      %parallel_loop3A_824 = arith.constant 1 : i32
      %parallel_loop3A_825 = arith.addi %parallel_loop3A_742, %parallel_loop3A_824 : i32
      %parallel_loop3A_826 = arith.constant 7 : i32
      %parallel_loop3A_827 = arith.andi %parallel_loop3A_825, %parallel_loop3A_826 : i32
      %parallel_loop3A_828 = arith.index_cast %parallel_loop3A_823 : i32 to index
      %parallel_loop3A_829 = arith.index_cast %parallel_loop3A_827 : i32 to index
      %parallel_loop3A_830 = arith.constant 32 : index
      %parallel_loop3A_831 = tpu.vector_load %arg6[%parallel_loop3A_828, %parallel_loop3A_829, %parallel_loop3A_830] {strides = array<i32>} : memref<48x8x64xf32, #tpu.memory_space<vmem>>, vector<16xf32>,
      %parallel_loop3A_832 = arith.mulf %parallel_loop3A_819, %parallel_loop3A_831 : vector<16xf32>
      %parallel_loop3A_833 = arith.constant 2 : i32
      %parallel_loop3A_834 = arith.addi %parallel_loop3A_742, %parallel_loop3A_833 : i32
      %parallel_loop3A_835 = arith.constant 3 : i32
      %parallel_loop3A_836 = arith.shrui %parallel_loop3A_834, %parallel_loop3A_835 : i32
      %parallel_loop3A_837 = arith.constant 2 : i32
      %parallel_loop3A_838 = arith.addi %parallel_loop3A_742, %parallel_loop3A_837 : i32
      %parallel_loop3A_839 = arith.constant 7 : i32
      %parallel_loop3A_840 = arith.andi %parallel_loop3A_838, %parallel_loop3A_839 : i32
      %parallel_loop3A_841 = arith.index_cast %parallel_loop3A_836 : i32 to index
      %parallel_loop3A_842 = arith.index_cast %parallel_loop3A_840 : i32 to index
      %parallel_loop3A_843 = arith.constant 32 : index
      %parallel_loop3A_844 = tpu.vector_load %arg6[%parallel_loop3A_841, %parallel_loop3A_842, %parallel_loop3A_843] {strides = array<i32>} : memref<48x8x64xf32, #tpu.memory_space<vmem>>, vector<16xf32>,
      %parallel_loop3A_845 = arith.mulf %parallel_loop3A_832, %parallel_loop3A_844 : vector<16xf32>
      %parallel_loop3A_846 = arith.addf %parallel_loop3A_811, %parallel_loop3A_845 : vector<16xf32>
      %parallel_loop3A_847 = arith.constant 3 : i32
      %parallel_loop3A_848 = arith.shrui %parallel_loop3A_742, %parallel_loop3A_847 : i32
      %parallel_loop3A_849 = arith.constant 7 : i32
      %parallel_loop3A_850 = arith.andi %parallel_loop3A_742, %parallel_loop3A_849 : i32
      %parallel_loop3A_851 = arith.index_cast %parallel_loop3A_848 : i32 to index
      %parallel_loop3A_852 = arith.index_cast %parallel_loop3A_850 : i32 to index
      %parallel_loop3A_853 = arith.constant 48 : index
      %parallel_loop3A_854 = tpu.vector_load %arg6[%parallel_loop3A_851, %parallel_loop3A_852, %parallel_loop3A_853] {strides = array<i32>} : memref<48x8x64xf32, #tpu.memory_space<vmem>>, vector<16xf32>,
      %parallel_loop3A_855 = arith.constant 1 : i32
      %parallel_loop3A_856 = arith.addi %parallel_loop3A_742, %parallel_loop3A_855 : i32
      %parallel_loop3A_857 = arith.constant 3 : i32
      %parallel_loop3A_858 = arith.shrui %parallel_loop3A_856, %parallel_loop3A_857 : i32
      %parallel_loop3A_859 = arith.constant 1 : i32
      %parallel_loop3A_860 = arith.addi %parallel_loop3A_742, %parallel_loop3A_859 : i32
      %parallel_loop3A_861 = arith.constant 7 : i32
      %parallel_loop3A_862 = arith.andi %parallel_loop3A_860, %parallel_loop3A_861 : i32
      %parallel_loop3A_863 = arith.index_cast %parallel_loop3A_858 : i32 to index
      %parallel_loop3A_864 = arith.index_cast %parallel_loop3A_862 : i32 to index
      %parallel_loop3A_865 = arith.constant 48 : index
      %parallel_loop3A_866 = tpu.vector_load %arg6[%parallel_loop3A_863, %parallel_loop3A_864, %parallel_loop3A_865] {strides = array<i32>} : memref<48x8x64xf32, #tpu.memory_space<vmem>>, vector<16xf32>,
      %parallel_loop3A_867 = arith.mulf %parallel_loop3A_854, %parallel_loop3A_866 : vector<16xf32>
      %parallel_loop3A_868 = arith.constant 2 : i32
      %parallel_loop3A_869 = arith.addi %parallel_loop3A_742, %parallel_loop3A_868 : i32
      %parallel_loop3A_870 = arith.constant 3 : i32
      %parallel_loop3A_871 = arith.shrui %parallel_loop3A_869, %parallel_loop3A_870 : i32
      %parallel_loop3A_872 = arith.constant 2 : i32
      %parallel_loop3A_873 = arith.addi %parallel_loop3A_742, %parallel_loop3A_872 : i32
      %parallel_loop3A_874 = arith.constant 7 : i32
      %parallel_loop3A_875 = arith.andi %parallel_loop3A_873, %parallel_loop3A_874 : i32
      %parallel_loop3A_876 = arith.index_cast %parallel_loop3A_871 : i32 to index
      %parallel_loop3A_877 = arith.index_cast %parallel_loop3A_875 : i32 to index
      %parallel_loop3A_878 = arith.constant 48 : index
      %parallel_loop3A_879 = tpu.vector_load %arg6[%parallel_loop3A_876, %parallel_loop3A_877, %parallel_loop3A_878] {strides = array<i32>} : memref<48x8x64xf32, #tpu.memory_space<vmem>>, vector<16xf32>,
      %parallel_loop3A_880 = arith.mulf %parallel_loop3A_867, %parallel_loop3A_879 : vector<16xf32>
      %parallel_loop3A_881 = arith.addf %parallel_loop3A_846, %parallel_loop3A_880 : vector<16xf32>
      %parallel_loop3A_882 = vector.broadcast %parallel_loop3A_740 : i32 to vector<16xi32>
      tpu.vector_store_idx %arg7[%iota3A, %parallel_loop3A_882], %parallel_loop3A_881 : memref<16x128xf32, #tpu.memory_space<vmem>>[vector<16xi32>, vector<16xi32>], vector<16xf32>,
    } {sc.loop_unroll_factor = 2 : i64, sc.parallel_access}
    %get3A = arith.constant 0 : i32
    %get3A_17 = arith.index_cast %get3A : i32 to index
    %get3A_18 = arith.constant 0 : index
    %get3A_19 = tpu.vector_load %arg7[%get3A_17, %get3A_18] {strides = array<i32>} : memref<16x128xf32, #tpu.memory_space<vmem>>, vector<16xf32>,
    %get3A_20 = arith.constant 1 : i32
    %get3A_21 = arith.index_cast %get3A_20 : i32 to index
    %get3A_22 = arith.constant 0 : index
    %get3A_23 = tpu.vector_load %arg7[%get3A_21, %get3A_22] {strides = array<i32>} : memref<16x128xf32, #tpu.memory_space<vmem>>, vector<16xf32>,
    %add3A_24 = arith.addf %get3A_19, %get3A_23 : vector<16xf32>
    %get3A_25 = arith.constant 2 : i32
    %get3A_26 = arith.index_cast %get3A_25 : i32 to index
    %get3A_27 = arith.constant 0 : index
    %get3A_28 = tpu.vector_load %arg7[%get3A_26, %get3A_27] {strides = array<i32>} : memref<16x128xf32, #tpu.memory_space<vmem>>, vector<16xf32>,
    %add3A_29 = arith.addf %add3A_24, %get3A_28 : vector<16xf32>
    %get3A_30 = arith.constant 3 : i32
    %get3A_31 = arith.index_cast %get3A_30 : i32 to index
    %get3A_32 = arith.constant 0 : index
    %get3A_33 = tpu.vector_load %arg7[%get3A_31, %get3A_32] {strides = array<i32>} : memref<16x128xf32, #tpu.memory_space<vmem>>, vector<16xf32>,
    %add3A_34 = arith.addf %add3A_29, %get3A_33 : vector<16xf32>
    %get3A_35 = arith.constant 4 : i32
    %get3A_36 = arith.index_cast %get3A_35 : i32 to index
    %get3A_37 = arith.constant 0 : index
    %get3A_38 = tpu.vector_load %arg7[%get3A_36, %get3A_37] {strides = array<i32>} : memref<16x128xf32, #tpu.memory_space<vmem>>, vector<16xf32>,
    %add3A_39 = arith.addf %add3A_34, %get3A_38 : vector<16xf32>
    %get3A_40 = arith.constant 5 : i32
    %get3A_41 = arith.index_cast %get3A_40 : i32 to index
    %get3A_42 = arith.constant 0 : index
    %get3A_43 = tpu.vector_load %arg7[%get3A_41, %get3A_42] {strides = array<i32>} : memref<16x128xf32, #tpu.memory_space<vmem>>, vector<16xf32>,
    %add3A_44 = arith.addf %add3A_39, %get3A_43 : vector<16xf32>
    %get3A_45 = arith.constant 6 : i32
    %get3A_46 = arith.index_cast %get3A_45 : i32 to index
    %get3A_47 = arith.constant 0 : index
    %get3A_48 = tpu.vector_load %arg7[%get3A_46, %get3A_47] {strides = array<i32>} : memref<16x128xf32, #tpu.memory_space<vmem>>, vector<16xf32>,
    %add3A_49 = arith.addf %add3A_44, %get3A_48 : vector<16xf32>
    %get3A_50 = arith.constant 7 : i32
    %get3A_51 = arith.index_cast %get3A_50 : i32 to index
    %get3A_52 = arith.constant 0 : index
    %get3A_53 = tpu.vector_load %arg7[%get3A_51, %get3A_52] {strides = array<i32>} : memref<16x128xf32, #tpu.memory_space<vmem>>, vector<16xf32>,
    %add3A_54 = arith.addf %add3A_49, %get3A_53 : vector<16xf32>
    %get3A_55 = arith.constant 8 : i32
    %get3A_56 = arith.index_cast %get3A_55 : i32 to index
    %get3A_57 = arith.constant 0 : index
    %get3A_58 = tpu.vector_load %arg7[%get3A_56, %get3A_57] {strides = array<i32>} : memref<16x128xf32, #tpu.memory_space<vmem>>, vector<16xf32>,
    %add3A_59 = arith.addf %add3A_54, %get3A_58 : vector<16xf32>
    %get3A_60 = arith.constant 9 : i32
    %get3A_61 = arith.index_cast %get3A_60 : i32 to index
    %get3A_62 = arith.constant 0 : index
    %get3A_63 = tpu.vector_load %arg7[%get3A_61, %get3A_62] {strides = array<i32>} : memref<16x128xf32, #tpu.memory_space<vmem>>, vector<16xf32>,
    %add3A_64 = arith.addf %add3A_59, %get3A_63 : vector<16xf32>
    %get3A_65 = arith.constant 10 : i32
    %get3A_66 = arith.index_cast %get3A_65 : i32 to index
    %get3A_67 = arith.constant 0 : index
    %get3A_68 = tpu.vector_load %arg7[%get3A_66, %get3A_67] {strides = array<i32>} : memref<16x128xf32, #tpu.memory_space<vmem>>, vector<16xf32>,
    %add3A_69 = arith.addf %add3A_64, %get3A_68 : vector<16xf32>
    %get3A_70 = arith.constant 11 : i32
    %get3A_71 = arith.index_cast %get3A_70 : i32 to index
    %get3A_72 = arith.constant 0 : index
    %get3A_73 = tpu.vector_load %arg7[%get3A_71, %get3A_72] {strides = array<i32>} : memref<16x128xf32, #tpu.memory_space<vmem>>, vector<16xf32>,
    %add3A_74 = arith.addf %add3A_69, %get3A_73 : vector<16xf32>
    %get3A_75 = arith.constant 12 : i32
    %get3A_76 = arith.index_cast %get3A_75 : i32 to index
    %get3A_77 = arith.constant 0 : index
    %get3A_78 = tpu.vector_load %arg7[%get3A_76, %get3A_77] {strides = array<i32>} : memref<16x128xf32, #tpu.memory_space<vmem>>, vector<16xf32>,
    %add3A_79 = arith.addf %add3A_74, %get3A_78 : vector<16xf32>
    %get3A_80 = arith.constant 13 : i32
    %get3A_81 = arith.index_cast %get3A_80 : i32 to index
    %get3A_82 = arith.constant 0 : index
    %get3A_83 = tpu.vector_load %arg7[%get3A_81, %get3A_82] {strides = array<i32>} : memref<16x128xf32, #tpu.memory_space<vmem>>, vector<16xf32>,
    %add3A_84 = arith.addf %add3A_79, %get3A_83 : vector<16xf32>
    %get3A_85 = arith.constant 14 : i32
    %get3A_86 = arith.index_cast %get3A_85 : i32 to index
    %get3A_87 = arith.constant 0 : index
    %get3A_88 = tpu.vector_load %arg7[%get3A_86, %get3A_87] {strides = array<i32>} : memref<16x128xf32, #tpu.memory_space<vmem>>, vector<16xf32>,
    %add3A_89 = arith.addf %add3A_84, %get3A_88 : vector<16xf32>
    %get3A_90 = arith.constant 15 : i32
    %get3A_91 = arith.index_cast %get3A_90 : i32 to index
    %get3A_92 = arith.constant 0 : index
    %get3A_93 = tpu.vector_load %arg7[%get3A_91, %get3A_92] {strides = array<i32>} : memref<16x128xf32, #tpu.memory_space<vmem>>, vector<16xf32>,
    %add3A_94 = arith.addf %add3A_89, %get3A_93 : vector<16xf32>
    %neg3A = arith.constant 0.000000e+00 : f32
    %neg3A_95 = vector.broadcast %neg3A : f32 to vector<16xf32>
    %neg3A_96 = arith.subf %neg3A_95, %add3A_94 : vector<16xf32>
    %exp3A = math.exp %neg3A_96 : vector<16xf32>
    %add3A_97 = arith.constant 1.000000e+00 : f32
    %add3A_98 = vector.broadcast %add3A_97 : f32 to vector<16xf32>
    %add3A_99 = arith.addf %add3A_98, %exp3A : vector<16xf32>
    %div3A = arith.constant 1.000000e+00 : f32
    %div3A_100 = vector.broadcast %div3A : f32 to vector<16xf32>
    %div3A_101 = arith.divf %div3A_100, %add3A_99 : vector<16xf32>
    %swap3A = arith.constant 0 : index
    %swap3A_102 = tpu.vector_load %arg8[%swap3A] {strides = array<i32>} : memref<128xf32, #tpu.memory_space<vmem>>, vector<16xf32>,
    tpu.vector_store %arg8[%swap3A], %div3A_101 {strides = array<i32>} : memref<128xf32, #tpu.memory_space<vmem>>, vector<16xf32>,
    %get3A_103 = arith.constant 0 : i32
    %get3A_104 = arith.index_cast %get3A_103 : i32 to index
    %get3A_105 = arith.constant 16 : index
    %get3A_106 = tpu.vector_load %arg7[%get3A_104, %get3A_105] {strides = array<i32>} : memref<16x128xf32, #tpu.memory_space<vmem>>, vector<16xf32>,
    %get3A_107 = arith.constant 1 : i32
    %get3A_108 = arith.index_cast %get3A_107 : i32 to index
    %get3A_109 = arith.constant 16 : index
    %get3A_110 = tpu.vector_load %arg7[%get3A_108, %get3A_109] {strides = array<i32>} : memref<16x128xf32, #tpu.memory_space<vmem>>, vector<16xf32>,
    %add3A_111 = arith.addf %get3A_106, %get3A_110 : vector<16xf32>
    %get3A_112 = arith.constant 2 : i32
    %get3A_113 = arith.index_cast %get3A_112 : i32 to index
    %get3A_114 = arith.constant 16 : index
    %get3A_115 = tpu.vector_load %arg7[%get3A_113, %get3A_114] {strides = array<i32>} : memref<16x128xf32, #tpu.memory_space<vmem>>, vector<16xf32>,
    %add3A_116 = arith.addf %add3A_111, %get3A_115 : vector<16xf32>
    %get3A_117 = arith.constant 3 : i32
    %get3A_118 = arith.index_cast %get3A_117 : i32 to index
    %get3A_119 = arith.constant 16 : index
    %get3A_120 = tpu.vector_load %arg7[%get3A_118, %get3A_119] {strides = array<i32>} : memref<16x128xf32, #tpu.memory_space<vmem>>, vector<16xf32>,
    %add3A_121 = arith.addf %add3A_116, %get3A_120 : vector<16xf32>
    %get3A_122 = arith.constant 4 : i32
    %get3A_123 = arith.index_cast %get3A_122 : i32 to index
    %get3A_124 = arith.constant 16 : index
    %get3A_125 = tpu.vector_load %arg7[%get3A_123, %get3A_124] {strides = array<i32>} : memref<16x128xf32, #tpu.memory_space<vmem>>, vector<16xf32>,
    %add3A_126 = arith.addf %add3A_121, %get3A_125 : vector<16xf32>
    %get3A_127 = arith.constant 5 : i32
    %get3A_128 = arith.index_cast %get3A_127 : i32 to index
    %get3A_129 = arith.constant 16 : index
    %get3A_130 = tpu.vector_load %arg7[%get3A_128, %get3A_129] {strides = array<i32>} : memref<16x128xf32, #tpu.memory_space<vmem>>, vector<16xf32>,
    %add3A_131 = arith.addf %add3A_126, %get3A_130 : vector<16xf32>
    %get3A_132 = arith.constant 6 : i32
    %get3A_133 = arith.index_cast %get3A_132 : i32 to index
    %get3A_134 = arith.constant 16 : index
    %get3A_135 = tpu.vector_load %arg7[%get3A_133, %get3A_134] {strides = array<i32>} : memref<16x128xf32, #tpu.memory_space<vmem>>, vector<16xf32>,
    %add3A_136 = arith.addf %add3A_131, %get3A_135 : vector<16xf32>
    %get3A_137 = arith.constant 7 : i32
    %get3A_138 = arith.index_cast %get3A_137 : i32 to index
    %get3A_139 = arith.constant 16 : index
    %get3A_140 = tpu.vector_load %arg7[%get3A_138, %get3A_139] {strides = array<i32>} : memref<16x128xf32, #tpu.memory_space<vmem>>, vector<16xf32>,
    %add3A_141 = arith.addf %add3A_136, %get3A_140 : vector<16xf32>
    %get3A_142 = arith.constant 8 : i32
    %get3A_143 = arith.index_cast %get3A_142 : i32 to index
    %get3A_144 = arith.constant 16 : index
    %get3A_145 = tpu.vector_load %arg7[%get3A_143, %get3A_144] {strides = array<i32>} : memref<16x128xf32, #tpu.memory_space<vmem>>, vector<16xf32>,
    %add3A_146 = arith.addf %add3A_141, %get3A_145 : vector<16xf32>
    %get3A_147 = arith.constant 9 : i32
    %get3A_148 = arith.index_cast %get3A_147 : i32 to index
    %get3A_149 = arith.constant 16 : index
    %get3A_150 = tpu.vector_load %arg7[%get3A_148, %get3A_149] {strides = array<i32>} : memref<16x128xf32, #tpu.memory_space<vmem>>, vector<16xf32>,
    %add3A_151 = arith.addf %add3A_146, %get3A_150 : vector<16xf32>
    %get3A_152 = arith.constant 10 : i32
    %get3A_153 = arith.index_cast %get3A_152 : i32 to index
    %get3A_154 = arith.constant 16 : index
    %get3A_155 = tpu.vector_load %arg7[%get3A_153, %get3A_154] {strides = array<i32>} : memref<16x128xf32, #tpu.memory_space<vmem>>, vector<16xf32>,
    %add3A_156 = arith.addf %add3A_151, %get3A_155 : vector<16xf32>
    %get3A_157 = arith.constant 11 : i32
    %get3A_158 = arith.index_cast %get3A_157 : i32 to index
    %get3A_159 = arith.constant 16 : index
    %get3A_160 = tpu.vector_load %arg7[%get3A_158, %get3A_159] {strides = array<i32>} : memref<16x128xf32, #tpu.memory_space<vmem>>, vector<16xf32>,
    %add3A_161 = arith.addf %add3A_156, %get3A_160 : vector<16xf32>
    %get3A_162 = arith.constant 12 : i32
    %get3A_163 = arith.index_cast %get3A_162 : i32 to index
    %get3A_164 = arith.constant 16 : index
    %get3A_165 = tpu.vector_load %arg7[%get3A_163, %get3A_164] {strides = array<i32>} : memref<16x128xf32, #tpu.memory_space<vmem>>, vector<16xf32>,
    %add3A_166 = arith.addf %add3A_161, %get3A_165 : vector<16xf32>
    %get3A_167 = arith.constant 13 : i32
    %get3A_168 = arith.index_cast %get3A_167 : i32 to index
    %get3A_169 = arith.constant 16 : index
    %get3A_170 = tpu.vector_load %arg7[%get3A_168, %get3A_169] {strides = array<i32>} : memref<16x128xf32, #tpu.memory_space<vmem>>, vector<16xf32>,
    %add3A_171 = arith.addf %add3A_166, %get3A_170 : vector<16xf32>
    %get3A_172 = arith.constant 14 : i32
    %get3A_173 = arith.index_cast %get3A_172 : i32 to index
    %get3A_174 = arith.constant 16 : index
    %get3A_175 = tpu.vector_load %arg7[%get3A_173, %get3A_174] {strides = array<i32>} : memref<16x128xf32, #tpu.memory_space<vmem>>, vector<16xf32>,
    %add3A_176 = arith.addf %add3A_171, %get3A_175 : vector<16xf32>
    %get3A_177 = arith.constant 15 : i32
    %get3A_178 = arith.index_cast %get3A_177 : i32 to index
    %get3A_179 = arith.constant 16 : index
    %get3A_180 = tpu.vector_load %arg7[%get3A_178, %get3A_179] {strides = array<i32>} : memref<16x128xf32, #tpu.memory_space<vmem>>, vector<16xf32>,
    %add3A_181 = arith.addf %add3A_176, %get3A_180 : vector<16xf32>
    %neg3A_182 = arith.constant 0.000000e+00 : f32
    %neg3A_183 = vector.broadcast %neg3A_182 : f32 to vector<16xf32>
    %neg3A_184 = arith.subf %neg3A_183, %add3A_181 : vector<16xf32>
    %exp3A_185 = math.exp %neg3A_184 : vector<16xf32>
    %add3A_186 = arith.constant 1.000000e+00 : f32
    %add3A_187 = vector.broadcast %add3A_186 : f32 to vector<16xf32>
    %add3A_188 = arith.addf %add3A_187, %exp3A_185 : vector<16xf32>
    %div3A_189 = arith.constant 1.000000e+00 : f32
    %div3A_190 = vector.broadcast %div3A_189 : f32 to vector<16xf32>
    %div3A_191 = arith.divf %div3A_190, %add3A_188 : vector<16xf32>
    %swap3A_192 = arith.constant 16 : index
    %swap3A_193 = tpu.vector_load %arg8[%swap3A_192] {strides = array<i32>} : memref<128xf32, #tpu.memory_space<vmem>>, vector<16xf32>,
    tpu.vector_store %arg8[%swap3A_192], %div3A_191 {strides = array<i32>} : memref<128xf32, #tpu.memory_space<vmem>>, vector<16xf32>,
    %get3A_194 = arith.constant 0 : i32
    %get3A_195 = arith.index_cast %get3A_194 : i32 to index
    %get3A_196 = arith.constant 32 : index
    %get3A_197 = tpu.vector_load %arg7[%get3A_195, %get3A_196] {strides = array<i32>} : memref<16x128xf32, #tpu.memory_space<vmem>>, vector<16xf32>,
    %get3A_198 = arith.constant 1 : i32
    %get3A_199 = arith.index_cast %get3A_198 : i32 to index
    %get3A_200 = arith.constant 32 : index
    %get3A_201 = tpu.vector_load %arg7[%get3A_199, %get3A_200] {strides = array<i32>} : memref<16x128xf32, #tpu.memory_space<vmem>>, vector<16xf32>,
    %add3A_202 = arith.addf %get3A_197, %get3A_201 : vector<16xf32>
    %get3A_203 = arith.constant 2 : i32
    %get3A_204 = arith.index_cast %get3A_203 : i32 to index
    %get3A_205 = arith.constant 32 : index
    %get3A_206 = tpu.vector_load %arg7[%get3A_204, %get3A_205] {strides = array<i32>} : memref<16x128xf32, #tpu.memory_space<vmem>>, vector<16xf32>,
    %add3A_207 = arith.addf %add3A_202, %get3A_206 : vector<16xf32>
    %get3A_208 = arith.constant 3 : i32
    %get3A_209 = arith.index_cast %get3A_208 : i32 to index
    %get3A_210 = arith.constant 32 : index
    %get3A_211 = tpu.vector_load %arg7[%get3A_209, %get3A_210] {strides = array<i32>} : memref<16x128xf32, #tpu.memory_space<vmem>>, vector<16xf32>,
    %add3A_212 = arith.addf %add3A_207, %get3A_211 : vector<16xf32>
    %get3A_213 = arith.constant 4 : i32
    %get3A_214 = arith.index_cast %get3A_213 : i32 to index
    %get3A_215 = arith.constant 32 : index
    %get3A_216 = tpu.vector_load %arg7[%get3A_214, %get3A_215] {strides = array<i32>} : memref<16x128xf32, #tpu.memory_space<vmem>>, vector<16xf32>,
    %add3A_217 = arith.addf %add3A_212, %get3A_216 : vector<16xf32>
    %get3A_218 = arith.constant 5 : i32
    %get3A_219 = arith.index_cast %get3A_218 : i32 to index
    %get3A_220 = arith.constant 32 : index
    %get3A_221 = tpu.vector_load %arg7[%get3A_219, %get3A_220] {strides = array<i32>} : memref<16x128xf32, #tpu.memory_space<vmem>>, vector<16xf32>,
    %add3A_222 = arith.addf %add3A_217, %get3A_221 : vector<16xf32>
    %get3A_223 = arith.constant 6 : i32
    %get3A_224 = arith.index_cast %get3A_223 : i32 to index
    %get3A_225 = arith.constant 32 : index
    %get3A_226 = tpu.vector_load %arg7[%get3A_224, %get3A_225] {strides = array<i32>} : memref<16x128xf32, #tpu.memory_space<vmem>>, vector<16xf32>,
    %add3A_227 = arith.addf %add3A_222, %get3A_226 : vector<16xf32>
    %get3A_228 = arith.constant 7 : i32
    %get3A_229 = arith.index_cast %get3A_228 : i32 to index
    %get3A_230 = arith.constant 32 : index
    %get3A_231 = tpu.vector_load %arg7[%get3A_229, %get3A_230] {strides = array<i32>} : memref<16x128xf32, #tpu.memory_space<vmem>>, vector<16xf32>,
    %add3A_232 = arith.addf %add3A_227, %get3A_231 : vector<16xf32>
    %get3A_233 = arith.constant 8 : i32
    %get3A_234 = arith.index_cast %get3A_233 : i32 to index
    %get3A_235 = arith.constant 32 : index
    %get3A_236 = tpu.vector_load %arg7[%get3A_234, %get3A_235] {strides = array<i32>} : memref<16x128xf32, #tpu.memory_space<vmem>>, vector<16xf32>,
    %add3A_237 = arith.addf %add3A_232, %get3A_236 : vector<16xf32>
    %get3A_238 = arith.constant 9 : i32
    %get3A_239 = arith.index_cast %get3A_238 : i32 to index
    %get3A_240 = arith.constant 32 : index
    %get3A_241 = tpu.vector_load %arg7[%get3A_239, %get3A_240] {strides = array<i32>} : memref<16x128xf32, #tpu.memory_space<vmem>>, vector<16xf32>,
    %add3A_242 = arith.addf %add3A_237, %get3A_241 : vector<16xf32>
    %get3A_243 = arith.constant 10 : i32
    %get3A_244 = arith.index_cast %get3A_243 : i32 to index
    %get3A_245 = arith.constant 32 : index
    %get3A_246 = tpu.vector_load %arg7[%get3A_244, %get3A_245] {strides = array<i32>} : memref<16x128xf32, #tpu.memory_space<vmem>>, vector<16xf32>,
    %add3A_247 = arith.addf %add3A_242, %get3A_246 : vector<16xf32>
    %get3A_248 = arith.constant 11 : i32
    %get3A_249 = arith.index_cast %get3A_248 : i32 to index
    %get3A_250 = arith.constant 32 : index
    %get3A_251 = tpu.vector_load %arg7[%get3A_249, %get3A_250] {strides = array<i32>} : memref<16x128xf32, #tpu.memory_space<vmem>>, vector<16xf32>,
    %add3A_252 = arith.addf %add3A_247, %get3A_251 : vector<16xf32>
    %get3A_253 = arith.constant 12 : i32
    %get3A_254 = arith.index_cast %get3A_253 : i32 to index
    %get3A_255 = arith.constant 32 : index
    %get3A_256 = tpu.vector_load %arg7[%get3A_254, %get3A_255] {strides = array<i32>} : memref<16x128xf32, #tpu.memory_space<vmem>>, vector<16xf32>,
    %add3A_257 = arith.addf %add3A_252, %get3A_256 : vector<16xf32>
    %get3A_258 = arith.constant 13 : i32
    %get3A_259 = arith.index_cast %get3A_258 : i32 to index
    %get3A_260 = arith.constant 32 : index
    %get3A_261 = tpu.vector_load %arg7[%get3A_259, %get3A_260] {strides = array<i32>} : memref<16x128xf32, #tpu.memory_space<vmem>>, vector<16xf32>,
    %add3A_262 = arith.addf %add3A_257, %get3A_261 : vector<16xf32>
    %get3A_263 = arith.constant 14 : i32
    %get3A_264 = arith.index_cast %get3A_263 : i32 to index
    %get3A_265 = arith.constant 32 : index
    %get3A_266 = tpu.vector_load %arg7[%get3A_264, %get3A_265] {strides = array<i32>} : memref<16x128xf32, #tpu.memory_space<vmem>>, vector<16xf32>,
    %add3A_267 = arith.addf %add3A_262, %get3A_266 : vector<16xf32>
    %get3A_268 = arith.constant 15 : i32
    %get3A_269 = arith.index_cast %get3A_268 : i32 to index
    %get3A_270 = arith.constant 32 : index
    %get3A_271 = tpu.vector_load %arg7[%get3A_269, %get3A_270] {strides = array<i32>} : memref<16x128xf32, #tpu.memory_space<vmem>>, vector<16xf32>,
    %add3A_272 = arith.addf %add3A_267, %get3A_271 : vector<16xf32>
    %neg3A_273 = arith.constant 0.000000e+00 : f32
    %neg3A_274 = vector.broadcast %neg3A_273 : f32 to vector<16xf32>
    %neg3A_275 = arith.subf %neg3A_274, %add3A_272 : vector<16xf32>
    %exp3A_276 = math.exp %neg3A_275 : vector<16xf32>
    %add3A_277 = arith.constant 1.000000e+00 : f32
    %add3A_278 = vector.broadcast %add3A_277 : f32 to vector<16xf32>
    %add3A_279 = arith.addf %add3A_278, %exp3A_276 : vector<16xf32>
    %div3A_280 = arith.constant 1.000000e+00 : f32
    %div3A_281 = vector.broadcast %div3A_280 : f32 to vector<16xf32>
    %div3A_282 = arith.divf %div3A_281, %add3A_279 : vector<16xf32>
    %swap3A_283 = arith.constant 32 : index
    %swap3A_284 = tpu.vector_load %arg8[%swap3A_283] {strides = array<i32>} : memref<128xf32, #tpu.memory_space<vmem>>, vector<16xf32>,
    tpu.vector_store %arg8[%swap3A_283], %div3A_282 {strides = array<i32>} : memref<128xf32, #tpu.memory_space<vmem>>, vector<16xf32>,
    %get3A_285 = arith.constant 0 : i32
    %get3A_286 = arith.index_cast %get3A_285 : i32 to index
    %get3A_287 = arith.constant 48 : index
    %get3A_288 = tpu.vector_load %arg7[%get3A_286, %get3A_287] {strides = array<i32>} : memref<16x128xf32, #tpu.memory_space<vmem>>, vector<16xf32>,
    %get3A_289 = arith.constant 1 : i32
    %get3A_290 = arith.index_cast %get3A_289 : i32 to index
    %get3A_291 = arith.constant 48 : index
    %get3A_292 = tpu.vector_load %arg7[%get3A_290, %get3A_291] {strides = array<i32>} : memref<16x128xf32, #tpu.memory_space<vmem>>, vector<16xf32>,
    %add3A_293 = arith.addf %get3A_288, %get3A_292 : vector<16xf32>
    %get3A_294 = arith.constant 2 : i32
    %get3A_295 = arith.index_cast %get3A_294 : i32 to index
    %get3A_296 = arith.constant 48 : index
    %get3A_297 = tpu.vector_load %arg7[%get3A_295, %get3A_296] {strides = array<i32>} : memref<16x128xf32, #tpu.memory_space<vmem>>, vector<16xf32>,
    %add3A_298 = arith.addf %add3A_293, %get3A_297 : vector<16xf32>
    %get3A_299 = arith.constant 3 : i32
    %get3A_300 = arith.index_cast %get3A_299 : i32 to index
    %get3A_301 = arith.constant 48 : index
    %get3A_302 = tpu.vector_load %arg7[%get3A_300, %get3A_301] {strides = array<i32>} : memref<16x128xf32, #tpu.memory_space<vmem>>, vector<16xf32>,
    %add3A_303 = arith.addf %add3A_298, %get3A_302 : vector<16xf32>
    %get3A_304 = arith.constant 4 : i32
    %get3A_305 = arith.index_cast %get3A_304 : i32 to index
    %get3A_306 = arith.constant 48 : index
    %get3A_307 = tpu.vector_load %arg7[%get3A_305, %get3A_306] {strides = array<i32>} : memref<16x128xf32, #tpu.memory_space<vmem>>, vector<16xf32>,
    %add3A_308 = arith.addf %add3A_303, %get3A_307 : vector<16xf32>
    %get3A_309 = arith.constant 5 : i32
    %get3A_310 = arith.index_cast %get3A_309 : i32 to index
    %get3A_311 = arith.constant 48 : index
    %get3A_312 = tpu.vector_load %arg7[%get3A_310, %get3A_311] {strides = array<i32>} : memref<16x128xf32, #tpu.memory_space<vmem>>, vector<16xf32>,
    %add3A_313 = arith.addf %add3A_308, %get3A_312 : vector<16xf32>
    %get3A_314 = arith.constant 6 : i32
    %get3A_315 = arith.index_cast %get3A_314 : i32 to index
    %get3A_316 = arith.constant 48 : index
    %get3A_317 = tpu.vector_load %arg7[%get3A_315, %get3A_316] {strides = array<i32>} : memref<16x128xf32, #tpu.memory_space<vmem>>, vector<16xf32>,
    %add3A_318 = arith.addf %add3A_313, %get3A_317 : vector<16xf32>
    %get3A_319 = arith.constant 7 : i32
    %get3A_320 = arith.index_cast %get3A_319 : i32 to index
    %get3A_321 = arith.constant 48 : index
    %get3A_322 = tpu.vector_load %arg7[%get3A_320, %get3A_321] {strides = array<i32>} : memref<16x128xf32, #tpu.memory_space<vmem>>, vector<16xf32>,
    %add3A_323 = arith.addf %add3A_318, %get3A_322 : vector<16xf32>
    %get3A_324 = arith.constant 8 : i32
    %get3A_325 = arith.index_cast %get3A_324 : i32 to index
    %get3A_326 = arith.constant 48 : index
    %get3A_327 = tpu.vector_load %arg7[%get3A_325, %get3A_326] {strides = array<i32>} : memref<16x128xf32, #tpu.memory_space<vmem>>, vector<16xf32>,
    %add3A_328 = arith.addf %add3A_323, %get3A_327 : vector<16xf32>
    %get3A_329 = arith.constant 9 : i32
    %get3A_330 = arith.index_cast %get3A_329 : i32 to index
    %get3A_331 = arith.constant 48 : index
    %get3A_332 = tpu.vector_load %arg7[%get3A_330, %get3A_331] {strides = array<i32>} : memref<16x128xf32, #tpu.memory_space<vmem>>, vector<16xf32>,
    %add3A_333 = arith.addf %add3A_328, %get3A_332 : vector<16xf32>
    %get3A_334 = arith.constant 10 : i32
    %get3A_335 = arith.index_cast %get3A_334 : i32 to index
    %get3A_336 = arith.constant 48 : index
    %get3A_337 = tpu.vector_load %arg7[%get3A_335, %get3A_336] {strides = array<i32>} : memref<16x128xf32, #tpu.memory_space<vmem>>, vector<16xf32>,
    %add3A_338 = arith.addf %add3A_333, %get3A_337 : vector<16xf32>
    %get3A_339 = arith.constant 11 : i32
    %get3A_340 = arith.index_cast %get3A_339 : i32 to index
    %get3A_341 = arith.constant 48 : index
    %get3A_342 = tpu.vector_load %arg7[%get3A_340, %get3A_341] {strides = array<i32>} : memref<16x128xf32, #tpu.memory_space<vmem>>, vector<16xf32>,
    %add3A_343 = arith.addf %add3A_338, %get3A_342 : vector<16xf32>
    %get3A_344 = arith.constant 12 : i32
    %get3A_345 = arith.index_cast %get3A_344 : i32 to index
    %get3A_346 = arith.constant 48 : index
    %get3A_347 = tpu.vector_load %arg7[%get3A_345, %get3A_346] {strides = array<i32>} : memref<16x128xf32, #tpu.memory_space<vmem>>, vector<16xf32>,
    %add3A_348 = arith.addf %add3A_343, %get3A_347 : vector<16xf32>
    %get3A_349 = arith.constant 13 : i32
    %get3A_350 = arith.index_cast %get3A_349 : i32 to index
    %get3A_351 = arith.constant 48 : index
    %get3A_352 = tpu.vector_load %arg7[%get3A_350, %get3A_351] {strides = array<i32>} : memref<16x128xf32, #tpu.memory_space<vmem>>, vector<16xf32>,
    %add3A_353 = arith.addf %add3A_348, %get3A_352 : vector<16xf32>
    %get3A_354 = arith.constant 14 : i32
    %get3A_355 = arith.index_cast %get3A_354 : i32 to index
    %get3A_356 = arith.constant 48 : index
    %get3A_357 = tpu.vector_load %arg7[%get3A_355, %get3A_356] {strides = array<i32>} : memref<16x128xf32, #tpu.memory_space<vmem>>, vector<16xf32>,
    %add3A_358 = arith.addf %add3A_353, %get3A_357 : vector<16xf32>
    %get3A_359 = arith.constant 15 : i32
    %get3A_360 = arith.index_cast %get3A_359 : i32 to index
    %get3A_361 = arith.constant 48 : index
    %get3A_362 = tpu.vector_load %arg7[%get3A_360, %get3A_361] {strides = array<i32>} : memref<16x128xf32, #tpu.memory_space<vmem>>, vector<16xf32>,
    %add3A_363 = arith.addf %add3A_358, %get3A_362 : vector<16xf32>
    %neg3A_364 = arith.constant 0.000000e+00 : f32
    %neg3A_365 = vector.broadcast %neg3A_364 : f32 to vector<16xf32>
    %neg3A_366 = arith.subf %neg3A_365, %add3A_363 : vector<16xf32>
    %exp3A_367 = math.exp %neg3A_366 : vector<16xf32>
    %add3A_368 = arith.constant 1.000000e+00 : f32
    %add3A_369 = vector.broadcast %add3A_368 : f32 to vector<16xf32>
    %add3A_370 = arith.addf %add3A_369, %exp3A_367 : vector<16xf32>
    %div3A_371 = arith.constant 1.000000e+00 : f32
    %div3A_372 = vector.broadcast %div3A_371 : f32 to vector<16xf32>
    %div3A_373 = arith.divf %div3A_372, %add3A_370 : vector<16xf32>
    %swap3A_374 = arith.constant 48 : index
    %swap3A_375 = tpu.vector_load %arg8[%swap3A_374] {strides = array<i32>} : memref<128xf32, #tpu.memory_space<vmem>>, vector<16xf32>,
    tpu.vector_store %arg8[%swap3A_374], %div3A_373 {strides = array<i32>} : memref<128xf32, #tpu.memory_space<vmem>>, vector<16xf32>,
    %get3A_376 = arith.constant 0 : i32
    %get3A_377 = arith.index_cast %get3A_376 : i32 to index
    %get3A_378 = arith.constant 64 : index
    %get3A_379 = tpu.vector_load %arg7[%get3A_377, %get3A_378] {strides = array<i32>} : memref<16x128xf32, #tpu.memory_space<vmem>>, vector<16xf32>,
    %get3A_380 = arith.constant 1 : i32
    %get3A_381 = arith.index_cast %get3A_380 : i32 to index
    %get3A_382 = arith.constant 64 : index
    %get3A_383 = tpu.vector_load %arg7[%get3A_381, %get3A_382] {strides = array<i32>} : memref<16x128xf32, #tpu.memory_space<vmem>>, vector<16xf32>,
    %add3A_384 = arith.addf %get3A_379, %get3A_383 : vector<16xf32>
    %get3A_385 = arith.constant 2 : i32
    %get3A_386 = arith.index_cast %get3A_385 : i32 to index
    %get3A_387 = arith.constant 64 : index
    %get3A_388 = tpu.vector_load %arg7[%get3A_386, %get3A_387] {strides = array<i32>} : memref<16x128xf32, #tpu.memory_space<vmem>>, vector<16xf32>,
    %add3A_389 = arith.addf %add3A_384, %get3A_388 : vector<16xf32>
    %get3A_390 = arith.constant 3 : i32
    %get3A_391 = arith.index_cast %get3A_390 : i32 to index
    %get3A_392 = arith.constant 64 : index
    %get3A_393 = tpu.vector_load %arg7[%get3A_391, %get3A_392] {strides = array<i32>} : memref<16x128xf32, #tpu.memory_space<vmem>>, vector<16xf32>,
    %add3A_394 = arith.addf %add3A_389, %get3A_393 : vector<16xf32>
    %get3A_395 = arith.constant 4 : i32
    %get3A_396 = arith.index_cast %get3A_395 : i32 to index
    %get3A_397 = arith.constant 64 : index
    %get3A_398 = tpu.vector_load %arg7[%get3A_396, %get3A_397] {strides = array<i32>} : memref<16x128xf32, #tpu.memory_space<vmem>>, vector<16xf32>,
    %add3A_399 = arith.addf %add3A_394, %get3A_398 : vector<16xf32>
    %get3A_400 = arith.constant 5 : i32
    %get3A_401 = arith.index_cast %get3A_400 : i32 to index
    %get3A_402 = arith.constant 64 : index
    %get3A_403 = tpu.vector_load %arg7[%get3A_401, %get3A_402] {strides = array<i32>} : memref<16x128xf32, #tpu.memory_space<vmem>>, vector<16xf32>,
    %add3A_404 = arith.addf %add3A_399, %get3A_403 : vector<16xf32>
    %get3A_405 = arith.constant 6 : i32
    %get3A_406 = arith.index_cast %get3A_405 : i32 to index
    %get3A_407 = arith.constant 64 : index
    %get3A_408 = tpu.vector_load %arg7[%get3A_406, %get3A_407] {strides = array<i32>} : memref<16x128xf32, #tpu.memory_space<vmem>>, vector<16xf32>,
    %add3A_409 = arith.addf %add3A_404, %get3A_408 : vector<16xf32>
    %get3A_410 = arith.constant 7 : i32
    %get3A_411 = arith.index_cast %get3A_410 : i32 to index
    %get3A_412 = arith.constant 64 : index
    %get3A_413 = tpu.vector_load %arg7[%get3A_411, %get3A_412] {strides = array<i32>} : memref<16x128xf32, #tpu.memory_space<vmem>>, vector<16xf32>,
    %add3A_414 = arith.addf %add3A_409, %get3A_413 : vector<16xf32>
    %get3A_415 = arith.constant 8 : i32
    %get3A_416 = arith.index_cast %get3A_415 : i32 to index
    %get3A_417 = arith.constant 64 : index
    %get3A_418 = tpu.vector_load %arg7[%get3A_416, %get3A_417] {strides = array<i32>} : memref<16x128xf32, #tpu.memory_space<vmem>>, vector<16xf32>,
    %add3A_419 = arith.addf %add3A_414, %get3A_418 : vector<16xf32>
    %get3A_420 = arith.constant 9 : i32
    %get3A_421 = arith.index_cast %get3A_420 : i32 to index
    %get3A_422 = arith.constant 64 : index
    %get3A_423 = tpu.vector_load %arg7[%get3A_421, %get3A_422] {strides = array<i32>} : memref<16x128xf32, #tpu.memory_space<vmem>>, vector<16xf32>,
    %add3A_424 = arith.addf %add3A_419, %get3A_423 : vector<16xf32>
    %get3A_425 = arith.constant 10 : i32
    %get3A_426 = arith.index_cast %get3A_425 : i32 to index
    %get3A_427 = arith.constant 64 : index
    %get3A_428 = tpu.vector_load %arg7[%get3A_426, %get3A_427] {strides = array<i32>} : memref<16x128xf32, #tpu.memory_space<vmem>>, vector<16xf32>,
    %add3A_429 = arith.addf %add3A_424, %get3A_428 : vector<16xf32>
    %get3A_430 = arith.constant 11 : i32
    %get3A_431 = arith.index_cast %get3A_430 : i32 to index
    %get3A_432 = arith.constant 64 : index
    %get3A_433 = tpu.vector_load %arg7[%get3A_431, %get3A_432] {strides = array<i32>} : memref<16x128xf32, #tpu.memory_space<vmem>>, vector<16xf32>,
    %add3A_434 = arith.addf %add3A_429, %get3A_433 : vector<16xf32>
    %get3A_435 = arith.constant 12 : i32
    %get3A_436 = arith.index_cast %get3A_435 : i32 to index
    %get3A_437 = arith.constant 64 : index
    %get3A_438 = tpu.vector_load %arg7[%get3A_436, %get3A_437] {strides = array<i32>} : memref<16x128xf32, #tpu.memory_space<vmem>>, vector<16xf32>,
    %add3A_439 = arith.addf %add3A_434, %get3A_438 : vector<16xf32>
    %get3A_440 = arith.constant 13 : i32
    %get3A_441 = arith.index_cast %get3A_440 : i32 to index
    %get3A_442 = arith.constant 64 : index
    %get3A_443 = tpu.vector_load %arg7[%get3A_441, %get3A_442] {strides = array<i32>} : memref<16x128xf32, #tpu.memory_space<vmem>>, vector<16xf32>,
    %add3A_444 = arith.addf %add3A_439, %get3A_443 : vector<16xf32>
    %get3A_445 = arith.constant 14 : i32
    %get3A_446 = arith.index_cast %get3A_445 : i32 to index
    %get3A_447 = arith.constant 64 : index
    %get3A_448 = tpu.vector_load %arg7[%get3A_446, %get3A_447] {strides = array<i32>} : memref<16x128xf32, #tpu.memory_space<vmem>>, vector<16xf32>,
    %add3A_449 = arith.addf %add3A_444, %get3A_448 : vector<16xf32>
    %get3A_450 = arith.constant 15 : i32
    %get3A_451 = arith.index_cast %get3A_450 : i32 to index
    %get3A_452 = arith.constant 64 : index
    %get3A_453 = tpu.vector_load %arg7[%get3A_451, %get3A_452] {strides = array<i32>} : memref<16x128xf32, #tpu.memory_space<vmem>>, vector<16xf32>,
    %add3A_454 = arith.addf %add3A_449, %get3A_453 : vector<16xf32>
    %neg3A_455 = arith.constant 0.000000e+00 : f32
    %neg3A_456 = vector.broadcast %neg3A_455 : f32 to vector<16xf32>
    %neg3A_457 = arith.subf %neg3A_456, %add3A_454 : vector<16xf32>
    %exp3A_458 = math.exp %neg3A_457 : vector<16xf32>
    %add3A_459 = arith.constant 1.000000e+00 : f32
    %add3A_460 = vector.broadcast %add3A_459 : f32 to vector<16xf32>
    %add3A_461 = arith.addf %add3A_460, %exp3A_458 : vector<16xf32>
    %div3A_462 = arith.constant 1.000000e+00 : f32
    %div3A_463 = vector.broadcast %div3A_462 : f32 to vector<16xf32>
    %div3A_464 = arith.divf %div3A_463, %add3A_461 : vector<16xf32>
    %swap3A_465 = arith.constant 64 : index
    %swap3A_466 = tpu.vector_load %arg8[%swap3A_465] {strides = array<i32>} : memref<128xf32, #tpu.memory_space<vmem>>, vector<16xf32>,
    tpu.vector_store %arg8[%swap3A_465], %div3A_464 {strides = array<i32>} : memref<128xf32, #tpu.memory_space<vmem>>, vector<16xf32>,
    %get3A_467 = arith.constant 0 : i32
    %get3A_468 = arith.index_cast %get3A_467 : i32 to index
    %get3A_469 = arith.constant 80 : index
    %get3A_470 = tpu.vector_load %arg7[%get3A_468, %get3A_469] {strides = array<i32>} : memref<16x128xf32, #tpu.memory_space<vmem>>, vector<16xf32>,
    %get3A_471 = arith.constant 1 : i32
    %get3A_472 = arith.index_cast %get3A_471 : i32 to index
    %get3A_473 = arith.constant 80 : index
    %get3A_474 = tpu.vector_load %arg7[%get3A_472, %get3A_473] {strides = array<i32>} : memref<16x128xf32, #tpu.memory_space<vmem>>, vector<16xf32>,
    %add3A_475 = arith.addf %get3A_470, %get3A_474 : vector<16xf32>
    %get3A_476 = arith.constant 2 : i32
    %get3A_477 = arith.index_cast %get3A_476 : i32 to index
    %get3A_478 = arith.constant 80 : index
    %get3A_479 = tpu.vector_load %arg7[%get3A_477, %get3A_478] {strides = array<i32>} : memref<16x128xf32, #tpu.memory_space<vmem>>, vector<16xf32>,
    %add3A_480 = arith.addf %add3A_475, %get3A_479 : vector<16xf32>
    %get3A_481 = arith.constant 3 : i32
    %get3A_482 = arith.index_cast %get3A_481 : i32 to index
    %get3A_483 = arith.constant 80 : index
    %get3A_484 = tpu.vector_load %arg7[%get3A_482, %get3A_483] {strides = array<i32>} : memref<16x128xf32, #tpu.memory_space<vmem>>, vector<16xf32>,
    %add3A_485 = arith.addf %add3A_480, %get3A_484 : vector<16xf32>
    %get3A_486 = arith.constant 4 : i32
    %get3A_487 = arith.index_cast %get3A_486 : i32 to index
    %get3A_488 = arith.constant 80 : index
    %get3A_489 = tpu.vector_load %arg7[%get3A_487, %get3A_488] {strides = array<i32>} : memref<16x128xf32, #tpu.memory_space<vmem>>, vector<16xf32>,
    %add3A_490 = arith.addf %add3A_485, %get3A_489 : vector<16xf32>
    %get3A_491 = arith.constant 5 : i32
    %get3A_492 = arith.index_cast %get3A_491 : i32 to index
    %get3A_493 = arith.constant 80 : index
    %get3A_494 = tpu.vector_load %arg7[%get3A_492, %get3A_493] {strides = array<i32>} : memref<16x128xf32, #tpu.memory_space<vmem>>, vector<16xf32>,
    %add3A_495 = arith.addf %add3A_490, %get3A_494 : vector<16xf32>
    %get3A_496 = arith.constant 6 : i32
    %get3A_497 = arith.index_cast %get3A_496 : i32 to index
    %get3A_498 = arith.constant 80 : index
    %get3A_499 = tpu.vector_load %arg7[%get3A_497, %get3A_498] {strides = array<i32>} : memref<16x128xf32, #tpu.memory_space<vmem>>, vector<16xf32>,
    %add3A_500 = arith.addf %add3A_495, %get3A_499 : vector<16xf32>
    %get3A_501 = arith.constant 7 : i32
    %get3A_502 = arith.index_cast %get3A_501 : i32 to index
    %get3A_503 = arith.constant 80 : index
    %get3A_504 = tpu.vector_load %arg7[%get3A_502, %get3A_503] {strides = array<i32>} : memref<16x128xf32, #tpu.memory_space<vmem>>, vector<16xf32>,
    %add3A_505 = arith.addf %add3A_500, %get3A_504 : vector<16xf32>
    %get3A_506 = arith.constant 8 : i32
    %get3A_507 = arith.index_cast %get3A_506 : i32 to index
    %get3A_508 = arith.constant 80 : index
    %get3A_509 = tpu.vector_load %arg7[%get3A_507, %get3A_508] {strides = array<i32>} : memref<16x128xf32, #tpu.memory_space<vmem>>, vector<16xf32>,
    %add3A_510 = arith.addf %add3A_505, %get3A_509 : vector<16xf32>
    %get3A_511 = arith.constant 9 : i32
    %get3A_512 = arith.index_cast %get3A_511 : i32 to index
    %get3A_513 = arith.constant 80 : index
    %get3A_514 = tpu.vector_load %arg7[%get3A_512, %get3A_513] {strides = array<i32>} : memref<16x128xf32, #tpu.memory_space<vmem>>, vector<16xf32>,
    %add3A_515 = arith.addf %add3A_510, %get3A_514 : vector<16xf32>
    %get3A_516 = arith.constant 10 : i32
    %get3A_517 = arith.index_cast %get3A_516 : i32 to index
    %get3A_518 = arith.constant 80 : index
    %get3A_519 = tpu.vector_load %arg7[%get3A_517, %get3A_518] {strides = array<i32>} : memref<16x128xf32, #tpu.memory_space<vmem>>, vector<16xf32>,
    %add3A_520 = arith.addf %add3A_515, %get3A_519 : vector<16xf32>
    %get3A_521 = arith.constant 11 : i32
    %get3A_522 = arith.index_cast %get3A_521 : i32 to index
    %get3A_523 = arith.constant 80 : index
    %get3A_524 = tpu.vector_load %arg7[%get3A_522, %get3A_523] {strides = array<i32>} : memref<16x128xf32, #tpu.memory_space<vmem>>, vector<16xf32>,
    %add3A_525 = arith.addf %add3A_520, %get3A_524 : vector<16xf32>
    %get3A_526 = arith.constant 12 : i32
    %get3A_527 = arith.index_cast %get3A_526 : i32 to index
    %get3A_528 = arith.constant 80 : index
    %get3A_529 = tpu.vector_load %arg7[%get3A_527, %get3A_528] {strides = array<i32>} : memref<16x128xf32, #tpu.memory_space<vmem>>, vector<16xf32>,
    %add3A_530 = arith.addf %add3A_525, %get3A_529 : vector<16xf32>
    %get3A_531 = arith.constant 13 : i32
    %get3A_532 = arith.index_cast %get3A_531 : i32 to index
    %get3A_533 = arith.constant 80 : index
    %get3A_534 = tpu.vector_load %arg7[%get3A_532, %get3A_533] {strides = array<i32>} : memref<16x128xf32, #tpu.memory_space<vmem>>, vector<16xf32>,
    %add3A_535 = arith.addf %add3A_530, %get3A_534 : vector<16xf32>
    %get3A_536 = arith.constant 14 : i32
    %get3A_537 = arith.index_cast %get3A_536 : i32 to index
    %get3A_538 = arith.constant 80 : index
    %get3A_539 = tpu.vector_load %arg7[%get3A_537, %get3A_538] {strides = array<i32>} : memref<16x128xf32, #tpu.memory_space<vmem>>, vector<16xf32>,
    %add3A_540 = arith.addf %add3A_535, %get3A_539 : vector<16xf32>
    %get3A_541 = arith.constant 15 : i32
    %get3A_542 = arith.index_cast %get3A_541 : i32 to index
    %get3A_543 = arith.constant 80 : index
    %get3A_544 = tpu.vector_load %arg7[%get3A_542, %get3A_543] {strides = array<i32>} : memref<16x128xf32, #tpu.memory_space<vmem>>, vector<16xf32>,
    %add3A_545 = arith.addf %add3A_540, %get3A_544 : vector<16xf32>
    %neg3A_546 = arith.constant 0.000000e+00 : f32
    %neg3A_547 = vector.broadcast %neg3A_546 : f32 to vector<16xf32>
    %neg3A_548 = arith.subf %neg3A_547, %add3A_545 : vector<16xf32>
    %exp3A_549 = math.exp %neg3A_548 : vector<16xf32>
    %add3A_550 = arith.constant 1.000000e+00 : f32
    %add3A_551 = vector.broadcast %add3A_550 : f32 to vector<16xf32>
    %add3A_552 = arith.addf %add3A_551, %exp3A_549 : vector<16xf32>
    %div3A_553 = arith.constant 1.000000e+00 : f32
    %div3A_554 = vector.broadcast %div3A_553 : f32 to vector<16xf32>
    %div3A_555 = arith.divf %div3A_554, %add3A_552 : vector<16xf32>
    %swap3A_556 = arith.constant 80 : index
    %swap3A_557 = tpu.vector_load %arg8[%swap3A_556] {strides = array<i32>} : memref<128xf32, #tpu.memory_space<vmem>>, vector<16xf32>,
    tpu.vector_store %arg8[%swap3A_556], %div3A_555 {strides = array<i32>} : memref<128xf32, #tpu.memory_space<vmem>>, vector<16xf32>,
    %get3A_558 = arith.constant 0 : i32
    %get3A_559 = arith.index_cast %get3A_558 : i32 to index
    %get3A_560 = arith.constant 96 : index
    %get3A_561 = tpu.vector_load %arg7[%get3A_559, %get3A_560] {strides = array<i32>} : memref<16x128xf32, #tpu.memory_space<vmem>>, vector<16xf32>,
    %get3A_562 = arith.constant 1 : i32
    %get3A_563 = arith.index_cast %get3A_562 : i32 to index
    %get3A_564 = arith.constant 96 : index
    %get3A_565 = tpu.vector_load %arg7[%get3A_563, %get3A_564] {strides = array<i32>} : memref<16x128xf32, #tpu.memory_space<vmem>>, vector<16xf32>,
    %add3A_566 = arith.addf %get3A_561, %get3A_565 : vector<16xf32>
    %get3A_567 = arith.constant 2 : i32
    %get3A_568 = arith.index_cast %get3A_567 : i32 to index
    %get3A_569 = arith.constant 96 : index
    %get3A_570 = tpu.vector_load %arg7[%get3A_568, %get3A_569] {strides = array<i32>} : memref<16x128xf32, #tpu.memory_space<vmem>>, vector<16xf32>,
    %add3A_571 = arith.addf %add3A_566, %get3A_570 : vector<16xf32>
    %get3A_572 = arith.constant 3 : i32
    %get3A_573 = arith.index_cast %get3A_572 : i32 to index
    %get3A_574 = arith.constant 96 : index
    %get3A_575 = tpu.vector_load %arg7[%get3A_573, %get3A_574] {strides = array<i32>} : memref<16x128xf32, #tpu.memory_space<vmem>>, vector<16xf32>,
    %add3A_576 = arith.addf %add3A_571, %get3A_575 : vector<16xf32>
    %get3A_577 = arith.constant 4 : i32
    %get3A_578 = arith.index_cast %get3A_577 : i32 to index
    %get3A_579 = arith.constant 96 : index
    %get3A_580 = tpu.vector_load %arg7[%get3A_578, %get3A_579] {strides = array<i32>} : memref<16x128xf32, #tpu.memory_space<vmem>>, vector<16xf32>,
    %add3A_581 = arith.addf %add3A_576, %get3A_580 : vector<16xf32>
    %get3A_582 = arith.constant 5 : i32
    %get3A_583 = arith.index_cast %get3A_582 : i32 to index
    %get3A_584 = arith.constant 96 : index
    %get3A_585 = tpu.vector_load %arg7[%get3A_583, %get3A_584] {strides = array<i32>} : memref<16x128xf32, #tpu.memory_space<vmem>>, vector<16xf32>,
    %add3A_586 = arith.addf %add3A_581, %get3A_585 : vector<16xf32>
    %get3A_587 = arith.constant 6 : i32
    %get3A_588 = arith.index_cast %get3A_587 : i32 to index
    %get3A_589 = arith.constant 96 : index
    %get3A_590 = tpu.vector_load %arg7[%get3A_588, %get3A_589] {strides = array<i32>} : memref<16x128xf32, #tpu.memory_space<vmem>>, vector<16xf32>,
    %add3A_591 = arith.addf %add3A_586, %get3A_590 : vector<16xf32>
    %get3A_592 = arith.constant 7 : i32
    %get3A_593 = arith.index_cast %get3A_592 : i32 to index
    %get3A_594 = arith.constant 96 : index
    %get3A_595 = tpu.vector_load %arg7[%get3A_593, %get3A_594] {strides = array<i32>} : memref<16x128xf32, #tpu.memory_space<vmem>>, vector<16xf32>,
    %add3A_596 = arith.addf %add3A_591, %get3A_595 : vector<16xf32>
    %get3A_597 = arith.constant 8 : i32
    %get3A_598 = arith.index_cast %get3A_597 : i32 to index
    %get3A_599 = arith.constant 96 : index
    %get3A_600 = tpu.vector_load %arg7[%get3A_598, %get3A_599] {strides = array<i32>} : memref<16x128xf32, #tpu.memory_space<vmem>>, vector<16xf32>,
    %add3A_601 = arith.addf %add3A_596, %get3A_600 : vector<16xf32>
    %get3A_602 = arith.constant 9 : i32
    %get3A_603 = arith.index_cast %get3A_602 : i32 to index
    %get3A_604 = arith.constant 96 : index
    %get3A_605 = tpu.vector_load %arg7[%get3A_603, %get3A_604] {strides = array<i32>} : memref<16x128xf32, #tpu.memory_space<vmem>>, vector<16xf32>,
    %add3A_606 = arith.addf %add3A_601, %get3A_605 : vector<16xf32>
    %get3A_607 = arith.constant 10 : i32
    %get3A_608 = arith.index_cast %get3A_607 : i32 to index
    %get3A_609 = arith.constant 96 : index
    %get3A_610 = tpu.vector_load %arg7[%get3A_608, %get3A_609] {strides = array<i32>} : memref<16x128xf32, #tpu.memory_space<vmem>>, vector<16xf32>,
    %add3A_611 = arith.addf %add3A_606, %get3A_610 : vector<16xf32>
    %get3A_612 = arith.constant 11 : i32
    %get3A_613 = arith.index_cast %get3A_612 : i32 to index
    %get3A_614 = arith.constant 96 : index
    %get3A_615 = tpu.vector_load %arg7[%get3A_613, %get3A_614] {strides = array<i32>} : memref<16x128xf32, #tpu.memory_space<vmem>>, vector<16xf32>,
    %add3A_616 = arith.addf %add3A_611, %get3A_615 : vector<16xf32>
    %get3A_617 = arith.constant 12 : i32
    %get3A_618 = arith.index_cast %get3A_617 : i32 to index
    %get3A_619 = arith.constant 96 : index
    %get3A_620 = tpu.vector_load %arg7[%get3A_618, %get3A_619] {strides = array<i32>} : memref<16x128xf32, #tpu.memory_space<vmem>>, vector<16xf32>,
    %add3A_621 = arith.addf %add3A_616, %get3A_620 : vector<16xf32>
    %get3A_622 = arith.constant 13 : i32
    %get3A_623 = arith.index_cast %get3A_622 : i32 to index
    %get3A_624 = arith.constant 96 : index
    %get3A_625 = tpu.vector_load %arg7[%get3A_623, %get3A_624] {strides = array<i32>} : memref<16x128xf32, #tpu.memory_space<vmem>>, vector<16xf32>,
    %add3A_626 = arith.addf %add3A_621, %get3A_625 : vector<16xf32>
    %get3A_627 = arith.constant 14 : i32
    %get3A_628 = arith.index_cast %get3A_627 : i32 to index
    %get3A_629 = arith.constant 96 : index
    %get3A_630 = tpu.vector_load %arg7[%get3A_628, %get3A_629] {strides = array<i32>} : memref<16x128xf32, #tpu.memory_space<vmem>>, vector<16xf32>,
    %add3A_631 = arith.addf %add3A_626, %get3A_630 : vector<16xf32>
    %get3A_632 = arith.constant 15 : i32
    %get3A_633 = arith.index_cast %get3A_632 : i32 to index
    %get3A_634 = arith.constant 96 : index
    %get3A_635 = tpu.vector_load %arg7[%get3A_633, %get3A_634] {strides = array<i32>} : memref<16x128xf32, #tpu.memory_space<vmem>>, vector<16xf32>,
    %add3A_636 = arith.addf %add3A_631, %get3A_635 : vector<16xf32>
    %neg3A_637 = arith.constant 0.000000e+00 : f32
    %neg3A_638 = vector.broadcast %neg3A_637 : f32 to vector<16xf32>
    %neg3A_639 = arith.subf %neg3A_638, %add3A_636 : vector<16xf32>
    %exp3A_640 = math.exp %neg3A_639 : vector<16xf32>
    %add3A_641 = arith.constant 1.000000e+00 : f32
    %add3A_642 = vector.broadcast %add3A_641 : f32 to vector<16xf32>
    %add3A_643 = arith.addf %add3A_642, %exp3A_640 : vector<16xf32>
    %div3A_644 = arith.constant 1.000000e+00 : f32
    %div3A_645 = vector.broadcast %div3A_644 : f32 to vector<16xf32>
    %div3A_646 = arith.divf %div3A_645, %add3A_643 : vector<16xf32>
    %swap3A_647 = arith.constant 96 : index
    %swap3A_648 = tpu.vector_load %arg8[%swap3A_647] {strides = array<i32>} : memref<128xf32, #tpu.memory_space<vmem>>, vector<16xf32>,
    tpu.vector_store %arg8[%swap3A_647], %div3A_646 {strides = array<i32>} : memref<128xf32, #tpu.memory_space<vmem>>, vector<16xf32>,
    %get3A_649 = arith.constant 0 : i32
    %get3A_650 = arith.index_cast %get3A_649 : i32 to index
    %get3A_651 = arith.constant 112 : index
    %get3A_652 = tpu.vector_load %arg7[%get3A_650, %get3A_651] {strides = array<i32>} : memref<16x128xf32, #tpu.memory_space<vmem>>, vector<16xf32>,
    %get3A_653 = arith.constant 1 : i32
    %get3A_654 = arith.index_cast %get3A_653 : i32 to index
    %get3A_655 = arith.constant 112 : index
    %get3A_656 = tpu.vector_load %arg7[%get3A_654, %get3A_655] {strides = array<i32>} : memref<16x128xf32, #tpu.memory_space<vmem>>, vector<16xf32>,
    %add3A_657 = arith.addf %get3A_652, %get3A_656 : vector<16xf32>
    %get3A_658 = arith.constant 2 : i32
    %get3A_659 = arith.index_cast %get3A_658 : i32 to index
    %get3A_660 = arith.constant 112 : index
    %get3A_661 = tpu.vector_load %arg7[%get3A_659, %get3A_660] {strides = array<i32>} : memref<16x128xf32, #tpu.memory_space<vmem>>, vector<16xf32>,
    %add3A_662 = arith.addf %add3A_657, %get3A_661 : vector<16xf32>
    %get3A_663 = arith.constant 3 : i32
    %get3A_664 = arith.index_cast %get3A_663 : i32 to index
    %get3A_665 = arith.constant 112 : index
    %get3A_666 = tpu.vector_load %arg7[%get3A_664, %get3A_665] {strides = array<i32>} : memref<16x128xf32, #tpu.memory_space<vmem>>, vector<16xf32>,
    %add3A_667 = arith.addf %add3A_662, %get3A_666 : vector<16xf32>
    %get3A_668 = arith.constant 4 : i32
    %get3A_669 = arith.index_cast %get3A_668 : i32 to index
    %get3A_670 = arith.constant 112 : index
    %get3A_671 = tpu.vector_load %arg7[%get3A_669, %get3A_670] {strides = array<i32>} : memref<16x128xf32, #tpu.memory_space<vmem>>, vector<16xf32>,
    %add3A_672 = arith.addf %add3A_667, %get3A_671 : vector<16xf32>
    %get3A_673 = arith.constant 5 : i32
    %get3A_674 = arith.index_cast %get3A_673 : i32 to index
    %get3A_675 = arith.constant 112 : index
    %get3A_676 = tpu.vector_load %arg7[%get3A_674, %get3A_675] {strides = array<i32>} : memref<16x128xf32, #tpu.memory_space<vmem>>, vector<16xf32>,
    %add3A_677 = arith.addf %add3A_672, %get3A_676 : vector<16xf32>
    %get3A_678 = arith.constant 6 : i32
    %get3A_679 = arith.index_cast %get3A_678 : i32 to index
    %get3A_680 = arith.constant 112 : index
    %get3A_681 = tpu.vector_load %arg7[%get3A_679, %get3A_680] {strides = array<i32>} : memref<16x128xf32, #tpu.memory_space<vmem>>, vector<16xf32>,
    %add3A_682 = arith.addf %add3A_677, %get3A_681 : vector<16xf32>
    %get3A_683 = arith.constant 7 : i32
    %get3A_684 = arith.index_cast %get3A_683 : i32 to index
    %get3A_685 = arith.constant 112 : index
    %get3A_686 = tpu.vector_load %arg7[%get3A_684, %get3A_685] {strides = array<i32>} : memref<16x128xf32, #tpu.memory_space<vmem>>, vector<16xf32>,
    %add3A_687 = arith.addf %add3A_682, %get3A_686 : vector<16xf32>
    %get3A_688 = arith.constant 8 : i32
    %get3A_689 = arith.index_cast %get3A_688 : i32 to index
    %get3A_690 = arith.constant 112 : index
    %get3A_691 = tpu.vector_load %arg7[%get3A_689, %get3A_690] {strides = array<i32>} : memref<16x128xf32, #tpu.memory_space<vmem>>, vector<16xf32>,
    %add3A_692 = arith.addf %add3A_687, %get3A_691 : vector<16xf32>
    %get3A_693 = arith.constant 9 : i32
    %get3A_694 = arith.index_cast %get3A_693 : i32 to index
    %get3A_695 = arith.constant 112 : index
    %get3A_696 = tpu.vector_load %arg7[%get3A_694, %get3A_695] {strides = array<i32>} : memref<16x128xf32, #tpu.memory_space<vmem>>, vector<16xf32>,
    %add3A_697 = arith.addf %add3A_692, %get3A_696 : vector<16xf32>
    %get3A_698 = arith.constant 10 : i32
    %get3A_699 = arith.index_cast %get3A_698 : i32 to index
    %get3A_700 = arith.constant 112 : index
    %get3A_701 = tpu.vector_load %arg7[%get3A_699, %get3A_700] {strides = array<i32>} : memref<16x128xf32, #tpu.memory_space<vmem>>, vector<16xf32>,
    %add3A_702 = arith.addf %add3A_697, %get3A_701 : vector<16xf32>
    %get3A_703 = arith.constant 11 : i32
    %get3A_704 = arith.index_cast %get3A_703 : i32 to index
    %get3A_705 = arith.constant 112 : index
    %get3A_706 = tpu.vector_load %arg7[%get3A_704, %get3A_705] {strides = array<i32>} : memref<16x128xf32, #tpu.memory_space<vmem>>, vector<16xf32>,
    %add3A_707 = arith.addf %add3A_702, %get3A_706 : vector<16xf32>
    %get3A_708 = arith.constant 12 : i32
    %get3A_709 = arith.index_cast %get3A_708 : i32 to index
    %get3A_710 = arith.constant 112 : index
    %get3A_711 = tpu.vector_load %arg7[%get3A_709, %get3A_710] {strides = array<i32>} : memref<16x128xf32, #tpu.memory_space<vmem>>, vector<16xf32>,
    %add3A_712 = arith.addf %add3A_707, %get3A_711 : vector<16xf32>
    %get3A_713 = arith.constant 13 : i32
    %get3A_714 = arith.index_cast %get3A_713 : i32 to index
    %get3A_715 = arith.constant 112 : index
    %get3A_716 = tpu.vector_load %arg7[%get3A_714, %get3A_715] {strides = array<i32>} : memref<16x128xf32, #tpu.memory_space<vmem>>, vector<16xf32>,
    %add3A_717 = arith.addf %add3A_712, %get3A_716 : vector<16xf32>
    %get3A_718 = arith.constant 14 : i32
    %get3A_719 = arith.index_cast %get3A_718 : i32 to index
    %get3A_720 = arith.constant 112 : index
    %get3A_721 = tpu.vector_load %arg7[%get3A_719, %get3A_720] {strides = array<i32>} : memref<16x128xf32, #tpu.memory_space<vmem>>, vector<16xf32>,
    %add3A_722 = arith.addf %add3A_717, %get3A_721 : vector<16xf32>
    %get3A_723 = arith.constant 15 : i32
    %get3A_724 = arith.index_cast %get3A_723 : i32 to index
    %get3A_725 = arith.constant 112 : index
    %get3A_726 = tpu.vector_load %arg7[%get3A_724, %get3A_725] {strides = array<i32>} : memref<16x128xf32, #tpu.memory_space<vmem>>, vector<16xf32>,
    %add3A_727 = arith.addf %add3A_722, %get3A_726 : vector<16xf32>
    %neg3A_728 = arith.constant 0.000000e+00 : f32
    %neg3A_729 = vector.broadcast %neg3A_728 : f32 to vector<16xf32>
    %neg3A_730 = arith.subf %neg3A_729, %add3A_727 : vector<16xf32>
    %exp3A_731 = math.exp %neg3A_730 : vector<16xf32>
    %add3A_732 = arith.constant 1.000000e+00 : f32
    %add3A_733 = vector.broadcast %add3A_732 : f32 to vector<16xf32>
    %add3A_734 = arith.addf %add3A_733, %exp3A_731 : vector<16xf32>
    %div3A_735 = arith.constant 1.000000e+00 : f32
    %div3A_736 = vector.broadcast %div3A_735 : f32 to vector<16xf32>
    %div3A_737 = arith.divf %div3A_736, %add3A_734 : vector<16xf32>
    %swap3A_738 = arith.constant 112 : index
    %swap3A_739 = tpu.vector_load %arg8[%swap3A_738] {strides = array<i32>} : memref<128xf32, #tpu.memory_space<vmem>>, vector<16xf32>,
    tpu.vector_store %arg8[%swap3A_738], %div3A_737 {strides = array<i32>} : memref<128xf32, #tpu.memory_space<vmem>>, vector<16xf32>,
    "tpu.region"() ({
      %run_scoped3A = tpu.sem_alloc : memref<!tpu.dma_semaphore, #tpu.memory_space<semaphore_mem>>
      %dma_start3A = tpu.memref_slice %arg4[%mul3A_2] : memref<4096xf32, #tpu.memory_space<hbm>> -> memref<128xf32, #tpu.memory_space<hbm>>
      %dma_start3A_740 = tpu.memref_slice %arg4[%mul3A_2] : memref<4096xf32, #tpu.memory_space<hbm>> -> memref<128xf32, #tpu.memory_space<hbm>>
      tpu.enqueue_dma source(%arg8 : memref<128xf32, #tpu.memory_space<vmem>>) target(%dma_start3A_740 : memref<128xf32, #tpu.memory_space<hbm>>) target_semaphore(%run_scoped3A : memref<!tpu.dma_semaphore, #tpu.memory_space<semaphore_mem>>)
      %dma_wait3A_741 = tpu.memref_slice %arg4[%mul3A_2] : memref<4096xf32, #tpu.memory_space<hbm>> -> memref<128xf32, #tpu.memory_space<hbm>>
      %dma_wait3A_742 = tpu.memref_slice %arg4[%mul3A_2] : memref<4096xf32, #tpu.memory_space<hbm>> -> memref<128xf32, #tpu.memory_space<hbm>>
      tpu.wait_dma2 semaphore(%run_scoped3A : memref<!tpu.dma_semaphore, #tpu.memory_space<semaphore_mem>>) src(%arg8 : memref<128xf32, #tpu.memory_space<vmem>>) dst(%dma_wait3A_742 : memref<128xf32, #tpu.memory_space<hbm>>)
      tpu.yield
    }) : () -> ()
    return
  }
}

</mosaic_0001>

<sc_bundles>
// kernel: _run.3.cloned.1.call-start
scs
__scs_entry_jumppad:
0x0: {  	(pc) =	sbr.rel $0x88, $3  }
0x1: {  	(tag) =	ssettag $0x0;
	lr =	simm.s32 $0x1  }
0x2: {  	[smem:$0x3F9F] =	sst lr;
	_ =	strace $0xD0000000  }
0x3: {  	_ = 	snop  }
0x4: {  	_ = 	snop  }
0x5: {  	_ = 	snop  }
0x6: {  	_ = 	snop  }
0x7: {  	_ = 	snop  }
__scs_overlays_trampoline_lowered:
0x8: {  	[smem:$0x3FAE] =	sst s0  }
0x9: {  	[smem:$0x3FAF] =	sst s1  }
0xa: {  	[smem:$0x3FB0] =	sst s2  }
0xb: {  	[smem:$0x3FB1] =	sst s3  }
0xc: {  	[smem:$0x3FB2] =	sst s4  }
0xd: {  	[smem:$0x3FB3] =	sst s5  }
0xe: {  	[smem:$0x3FB4] =	sst s6  }
0xf: {  	[smem:$0x3FB5] =	sst s7  }
0x10: {  	[smem:$0x3FB6] =	sst s8  }
0x11: {  	[smem:$0x3FB7] =	sst s9;
	s0 =	simm.s32 @!p0 $0x0  }
0x12: {  	s1 =	sld [smem:$0x3F9D];
	s0 =	simm.s32 @p0 $0x1  }
0x13: {  	[smem:$0x3FB8] =	sst s0;
	s0 =	simm.s32 @!p1 $0x0  }
0x14: {  	s2 =	sld [smem:$0x3F9C];
	s0 =	simm.s32 @p1 $0x1  }
0x15: {  	[smem:$0x3FB9] =	sst s0;
	s0 =	simm.s32 @!p2 $0x0  }
0x16: {  	s3 =	sld [smem:$0x3FDB];
	s0 =	simm.s32 @p2 $0x1  }
0x17: {  	s4 =	simm.s32 $0x1BF5;
	[smem:$0x3FBB] =	sst s0  }
0x18: {  	s0 =	sld [smem:$0x3F9E];
	_ =	swait.ge [sflag:s4], $0x0  }
0x19: {  	s7 =	sld [smem:$0x3F9F]  }
0x1a: {  	s8 =	sadd.s32 $0xFFFFE003, lr  }
0x1b: {  	s9 =	sadd.s32 $0xFFFFFEF7, lr;
	s5 =	simm.s32 $0xFFFFFFFF;
	p2 =	slt.u32 s8, $0xFFFFF086  }
0x1c: {  	p1 =	slt.u32 s9, $0xF7A;
	s5 =	simm.s32 @!p2 $0x0  }
0x1d: {  	s5 =	simm.s32 @p1 $0x1;
	p0 =	seq.s32 s7, s2  }
0x1e: {  	s7 =	smul.u32 @!p0 $0xF7A, s2;
	p2 =	seq.s32 @!p0 s5, $0x0  }
0x1f: {  	s9 =	smul.u32 $0xF7A, s1;
	s8 =	simm.s32 @!p0 $0x1BF5;
	p2 =	por !p2, p0  }
0x20: {  	[sflag:s8] =	ssyncset.s32 @!p0 $0xFFFFF086;
	s6 =	sadd.s32 @!p0 s3, s7;
	s7 =	simm.s32 @!p0 $0x108  }
0x21: {  	s3 =	sadd.s32 s3, s9;
	s6 =	sadd.s32 @!p0 $0x88, s6;
	s7 =	simm.s32 @p2 $0x1082  }
0x22: {  	[simem:s7], [sflag:s8] =	dma.local @!p0 [hbm:s6], $0xF7A  }
0x23: {  	s9 =	sor.u32 $0xD0000000, s2;
	s6 =	simm.s32 $0x108;
	_ =	swait.ge @!p0 [sflag:s8], $0x0  }
0x24: {  	s3 =	sadd.s32 $0x88, s3;
	s6 =	simm.s32 @!p1 $0x1082;
	[sflag:s4] =	ssyncset.s32 $0xFFFFF086  }
0x25: {  	[simem:s6], [sflag:s4] =	dma.local [hbm:s3], $0xF7A  }
0x26: {  	[smem:$0x3F9F] =	sst s1;
	(tag) =	ssettag s2;
	_ =	strace s9  }
0x27: {  	s1 =	sld [smem:$0x3FAF]  }
0x28: {  	s2 =	sld [smem:$0x3FB0]  }
0x29: {  	s4 =	sld [smem:$0x3FB2]  }
0x2a: {  	p0 =	seq.s32 s5, $0x0;
	s5 =	sld [smem:$0x3FB3]  }
0x2b: {  	s6 =	sld [smem:$0x3FB4]  }
0x2c: {  	s7 =	sld [smem:$0x3FB5]  }
0x2d: {  	s3 =	simm.s32 $0x108;
	s8 =	sld [smem:$0x3FB6]  }
0x2e: {  	s3 =	simm.s32 @!p0 $0x1082;
	s9 =	sld [smem:$0x3FB7]  }
0x2f: {  	lr =	sadd.s32 s0, s3;
	s0 =	sld [smem:$0x3FAE]  }
0x30: {  	s3 =	sld [smem:$0x3FB1]  }
0x31: {  	[smem:$0x3FBA] =	sst s10  }
0x32: {  	s10 =	sld [smem:$0x3FB8];
	_ =	sdelay $0x3  }
0x33: {  	p0 =	seq.s32 s10, $0x1;
	s10 =	sld [smem:$0x3FBA];
	_ =	sdelay $0x3  }
0x34: {  	[smem:$0x3FBA] =	sst s10  }
0x35: {  	s10 =	sld [smem:$0x3FB9];
	_ =	sdelay $0x3  }
0x36: {  	p1 =	seq.s32 s10, $0x1;
	s10 =	sld [smem:$0x3FBA];
	_ =	sdelay $0x3  }
0x37: {  	[smem:$0x3FBA] =	sst s10  }
0x38: {  	s10 =	sld [smem:$0x3FBB]  }
0x39: {  	_ = 	snop;
	(pc) =	sbr.ind lr, $3  }
0x3a: {  	_ = 	snop  }
0x3b: {  	_ = 	snop  }
0x3c: {  	p2 =	seq.s32 s10, $0x1;
	s10 =	sld [smem:$0x3FBA]  }
0x3d: {  	_ =	shalt  }
0x3e: {  	_ =	shalt  }
0x3f: {  	_ =	shalt  }
0x40: {  	_ =	shalt  }
0x41: {  	_ =	shalt  }
0x42: {  	_ =	shalt  }
0x43: {  	_ =	shalt  }
0x44: {  	_ =	shalt  }
0x45: {  	_ =	shalt  }
0x46: {  	_ =	shalt  }
0x47: {  	_ =	shalt  }
0x48: {  	_ =	shalt  }
0x49: {  	_ =	shalt  }
0x4a: {  	_ =	shalt  }
0x4b: {  	_ =	shalt  }
0x4c: {  	_ =	shalt  }
0x4d: {  	_ =	shalt  }
0x4e: {  	_ =	shalt  }
0x4f: {  	_ =	shalt  }
0x50: {  	_ =	shalt  }
0x51: {  	_ =	shalt  }
0x52: {  	_ =	shalt  }
0x53: {  	_ =	shalt  }
0x54: {  	_ =	shalt  }
0x55: {  	_ =	shalt  }
0x56: {  	_ =	shalt  }
0x57: {  	_ =	shalt  }
0x58: {  	_ =	shalt  }
0x59: {  	_ =	shalt  }
0x5a: {  	_ =	shalt  }
0x5b: {  	_ =	shalt  }
0x5c: {  	_ =	shalt  }
0x5d: {  	_ =	shalt  }
0x5e: {  	_ =	shalt  }
0x5f: {  	_ =	shalt  }
0x60: {  	_ =	shalt  }
0x61: {  	_ =	shalt  }
0x62: {  	_ =	shalt  }
0x63: {  	_ =	shalt  }
0x64: {  	_ =	shalt  }
0x65: {  	_ =	shalt  }
0x66: {  	_ =	shalt  }
0x67: {  	_ =	shalt  }
0x68: {  	_ =	shalt  }
0x69: {  	_ =	shalt  }
0x6a: {  	_ =	shalt  }
0x6b: {  	_ =	shalt  }
0x6c: {  	_ =	shalt  }
0x6d: {  	_ =	shalt  }
0x6e: {  	_ =	shalt  }
0x6f: {  	_ =	shalt  }
0x70: {  	_ =	shalt  }
0x71: {  	_ =	shalt  }
0x72: {  	_ =	shalt  }
0x73: {  	_ =	shalt  }
0x74: {  	_ =	shalt  }
0x75: {  	_ =	shalt  }
0x76: {  	_ =	shalt  }
0x77: {  	_ =	shalt  }
0x78: {  	_ =	shalt  }
0x79: {  	_ =	shalt  }
0x7a: {  	_ =	shalt  }
0x7b: {  	_ =	shalt  }
0x7c: {  	_ =	shalt  }
0x7d: {  	_ =	shalt  }
0x7e: {  	_ =	shalt  }
0x7f: {  	_ =	shalt  }
0x80: {  	_ =	shalt  }
0x81: {  	_ =	shalt  }
0x82: {  	_ =	shalt  }
0x83: {  	_ =	shalt  }
0x84: {  	_ =	shalt  }
0x85: {  	_ =	shalt  }
0x86: {  	_ =	shalt  }
0x87: {  	_ =	shalt  }
.Lfunc_end0:
.L_simem_size_0:
called_computation_lowered:
.L_overlay_start_0:
0x88: {  	s2 =	sld [smem:$0x3FD9]  }
0x89: {  	s3 =	sld [smem:$0x3FFE];
	_ =	sdelay $0x1  }
0x8a: {  	s1 =	srdreg.scid  }
0x8b: {  	s0 =	sand.u32 $0x1, s1  }
0x8c: {  	s17 =	sshll.u32 s0, $0xA;
	s2 =	sadd.s32 s3, s2  }
0x8d: {  	s2 =	sadd.s32 s2, s17  }
0x8e: {  	[smem:$0x3FC6] =	sst s2  }
0x8f: {  	_ = 	snop  }
0x90: {  	s2 =	sld [smem:$0x3FC9]  }
0x91: {  	s18 =	sld [smem:$0x3FD0];
	(tm) =	ssettm $0x1  }
0x92: {  	s4 =	sld [smem:$0x3FFB];
	_ =	sdelay $0x3  }
0x93: {  	_ =	strace s4  }
0x94: {  	s4 =	sld [smem:$0x3FFC];
	_ =	sdelay $0x3  }
0x95: {  	_ =	strace s4  }
0x96: {  	s4 =	sld [smem:$0x3FFD];
	_ =	sdelay $0x3  }
0x97: {  	_ =	strace s4  }
0x98: {  	_ =	strace $0x8FFFFFFF  }
0x99: {  	s19 =	sld [smem:$0x3FDB];
	_ =	sdelay $0x1  }
0x9a: {  	s5 =	simm.s32 $_scs_section_size  }
0x9b: {  	s6 =	simm.s32 $_size__tile_overlayer_lowered;
	s7 =	simm.s32 $_tile_overlayer_lowered  }
0x9c: {  	s22 =	simm.s32 $0x1BFF;
	s21 =	sshll.u32 s7, $0x1;
	s4 =	sadd.s32 s5, s19  }
0x9d: {  	s8 =	simm.s32 $0x0;
	s20 =	sshll.u32 s6, $0x1;
	s6 =	sadd.s32 s21, s4  }
0x9e: {  	[timem:s8], [sflag:s22] =	dma.local [hbm:s6], s20  }
0x9f: {  	_ =	swait.ge [sflag:s22], s20  }
0xa0: {  	s5 =	ssub.s32 $0x0, s20;
	[sflag:s22] =	ssyncset.done $0x0  }
0xa1: {  	[sflag:s22] =	ssyncadd.s32 s5;
	_ =	sdelay $0x1  }
0xa2: {  	s23 =	simm.s32 $0x1B8B  }
0xa3: {  	_ =	swait.ge [sflag:s23], $0x1  }
0xa4: {  	[sflag:s23] =	ssyncset.done $0x0  }
0xa5: {  	s25 =	simm.s32 $0x1B8E;
	s24 =	sld [smem:$0x3FFE];
	[sflag:s23] =	ssyncadd.s32 $0xFFFFFFFF  }
0xa6: {  	s26 =	simm.s32 $execute0_lowered;
	[smem:$0x3FD2] =	sst s25  }
0xa7: {  	s6 =	sshll.u32 s26, $0x1;
	_ =	strace $0x80000046;
	[dreg:$0x1] =	wrdreg $0xFFFFFFFF  }
0xa8: {  	s28 =	simm.s32 $_size_execute0_lowered;
	s4 =	sadd.s32 s4, s6;
	[dreg:$0x0] =	wrdreg $0x0  }
0xa9: {  	s6 =	sshll.u32 s28, $0x1;
	[dreg:$0x2] =	wrdreg s4  }
0xaa: {  	[dreg:$0x3] =	wrdreg s6  }
0xab: {  	[dreg:$0x4] =	wrdreg $0xC0  }
0xac: {  	_ =	task [dreg:s8], $0x5FFFF  }
0xad: {  	[dreg:$0x1] =	wrdreg $0xFFFFFFFF  }
0xae: {  	[dreg:$0x0] =	wrdreg $0x60  }
0xaf: {  	[dreg:$0x2] =	wrdreg s2  }
0xb0: {  	[dreg:$0x3] =	wrdreg s24  }
0xb1: {  	[dreg:$0x4] =	wrdreg s18  }
0xb2: {  	[dreg:$0x5] =	wrdreg $0x9  }
0xb3: {  	_ =	task.clear_ibuf [dreg:s8], $0x6FFFF;
	_ =	strace $0x90000046  }
0xb4: {  	s29 =	simm.s32 $0x9;
	_ =	strace $0x80000048  }
0xb5: {  	_ =	swait.ge [sflag:s29], $0x1  }
0xb6: {  	[sflag:s29] =	ssyncadd.s32 $0xFFFFFFFF  }
0xb7: {  	_ =	strace $0x90000048  }
0xb8: {  	_ =	sfence  }
0xb9: {  	s30 =	sld [smem:$0x0];
	_ =	sdelay $0x2  }
0xba: {  	s31 =	sshll.u32 s1, $0xD;
	s1 =	sshrl.u32 s1, $0x2  }
0xbb: {  	s3 =	sand.u32 $0x4000, s31;
	s1 =	sadd.s32 s1, s30  }
0xbc: {  	s0 =	sor.u32 s3, s0;
	s1 =	sshll.u32 s1, $0x11  }
0xbd: {  	s0 =	sor.u32 s1, s0  }
0xbe: {  	s0 =	sadd.s32 $0x8F2B, s0  }
0xbf: {  	[sflag:s0] =	ssyncadd.remote.s32 $0x1  }
0xc0: {  	_ =	sfence.sel $0xFFFF  }
0xc1: {  	[dreg:$0x0] =	wrdreg $0xFFFFFFFF;
	(pc) =	sbr.abs _section_cstart, $3  }
0xc2: {  	[dreg:$0x1] =	wrdreg $0xFFFFFFFF  }
0xc3: {  	_ =	task.clear_ibuf [dreg:s8], $0x2FFFF;
	_ =	strace $0x9FFFFFFF  }
0xc4: {  	(tm) =	ssettm $0x7FFFFFFF  }
0xc5: {  	_ =	shalt  }
tec
execute0_lowered:
.L_overlay_start_1:
0x0: {  	(tag) =	ssettag $0x1  }
0x1: {  	s0 =	rddreg [dreg:$0x0]  }
0x2: {  	s1 =	rddreg [dreg:$0x1]  }
0x3: {  	s3 =	srdreg.scid;
	s4 =	stileid.u32;
	s2 =	simm.s32 $0x0  }
0x4: {  	s3 =	sand.u32 $0x1, s3;
	s4 =	sshll.u32 s4, $0x1;
	[smem:$0x7FF] =	sst s2  }
0x5: {  	s5 =	rddreg [dreg:$0x2];
	s4 =	sor.u32 s3, s4;
	_ =	strace $0x80000047  }
0x6: {  	s6 =	ssub.s32 $0x2, s3;
	s7 =	smul.u32 $0x30, s4;
	s8 =	sshll.u32 s4, $0x4  }
0x7: {  	s3 =	sadd.s32 $0x400, s1;
	s29 =	sshrl.u32 s6, $0x1;
	s30 =	sadd.s32 s5, s8  }
0x8: {  	s1 =	ssub.s32 s6, s29;
	s0 =	sadd.s32 s0, s7;
	[dreg:$0x5] =	wrdreg s30  }
0x9: {  	v0 =	vlaneseq.u32;
	s9 =	simm.s32 $0xC180;
	s31 =	smax.u32 s1, $0x1;
	[dreg:$0x4] =	wrdreg s0  }
0xa: {  	s11 =	simm.s32 $0x0;
	v0 =	vmul.u32 $0x80, v0;
	s1 =	simm.s32 $0x2;
	[dreg:$0x6] =	wrdreg s31  }
.LBB2_1:
0xb: {  	s0 =	rddreg [dreg:$0x4]  }
0xc: {  	[tilespmem:s2], [sflag:$0x2] =	stream.linear.gather [hbm4b:s0+s2], $0x180, $0x38;
	[tilespmem:$0xCA00] =	vst v63  }
0xd: {  	_ =	swait.ge [sflag:s1], $0x180  }
0xe: {  	[sflag:s1] =	ssyncset.done $0x0  }
0xf: {  	[sflag:s1] =	ssyncadd.s32 $0xFFFFFE80  }
0x10: {  	v1 =	vld [tilespmem:s2+$0x0];
	_ =	sdelay $0x4  }
0x11: {  	v2 =	vand.u32 $0x7, v1  }
0x12: {  	v1 =	vshrl.u32 v1, $0x3;
	v2 =	vshll.u32 v2, $0x7  }
0x13: {  	v1 =	vshll.u32 v1, $0xA;
	(v2sf) =	vpush v2, $0xA  }
0x14: {  	(v2sf) =	vpush v1, $0x9  }
0x15: {  	(v2sf) =	vpush v1, $0xA  }
0x16: {  	(v2sf) =	vpush v1, $0x8  }
0x17: {  	(v2sf) =	vpush v2, $0x9  }
0x18: {  	(v2sf) =	vpush v2, $0x7  }
0x19: {  	(v2sf) =	vpush v1, $0x7  }
0x1a: {  	(v2sf) =	vpush v2, $0x8  }
0x1b: {  	(v2sf) =	vpush v2, $0x5  }
0x1c: {  	(v2sf) =	vpush v2, $0x4  }
0x1d: {  	(v2sf) =	vpush v1, $0x4;
	_ =	sdelay $0x1  }
0x1e: {  	(v2sf) =	vpush v1, $0x5  }
0x1f: {  	(v2sf) =	vpush v1, $0x3  }
0x20: {  	(v2sf) =	vpush v1, $0x2  }
0x21: {  	(v2sf) =	vpush v2, $0x3;
	s6 =	spop (v2sf)  }
0x22: {  	(v2sf) =	vpush v2, $0x2;
	s7 =	spop (v2sf)  }
0x23: {  	s13 =	spop (v2sf)  }
0x24: {  	s14 =	spop (v2sf)  }
0x25: {  	(v2sf) =	vpush v1, $0x1;
	s15 =	spop (v2sf)  }
0x26: {  	(v2sf) =	vpush v2, $0x1;
	s16 =	spop (v2sf)  }
0x27: {  	(v2sf) =	vpush v1, $0x0;
	s18 =	spop (v2sf)  }
0x28: {  	(v2sf) =	vpush v2, $0x0;
	s19 =	spop (v2sf)  }
0x29: {  	(v2sf) =	vpush v2, $0xB;
	s20 =	spop (v2sf)  }
0x2a: {  	s21 =	spop (v2sf)  }
0x2b: {  	s22 =	spop (v2sf);
	(v2sf) =	vpush v1, $0xC  }
0x2c: {  	(v2sf) =	vpush v2, $0xC  }
0x2d: {  	s8 =	spop (v2sf);
	(v2sf) =	vpush v1, $0xD  }
0x2e: {  	s23 =	spop (v2sf);
	(v2sf) =	vpush v1, $0x6  }
0x2f: {  	s12 =	simm.s32 $0x2000;
	s10 =	spop (v2sf);
	(v2sf) =	vpush v2, $0xD  }
0x30: {  	s17 =	simm.s32 $0x4000;
	s0 =	sor.u32 s6, s13;
	s24 =	spop (v2sf);
	(v2sf) =	vpush v2, $0x6  }
0x31: {  	s30 =	simm.s32 $0x180;
	s13 =	sshrl.u32 s0, $0x3;
	s25 =	spop (v2sf);
	(v2sf) =	vpush v1, $0xE  }
0x32: {  	s16 =	sor.u32 s16, s18;
	s18 =	simm.s32 $0x10;
	s14 =	sor.u32 s19, s14  }
0x33: {  	s15 =	sor.u32 s15, s7;
	s16 =	sshrl.u32 s16, $0x3;
	v3 =	vld [tilespmem:s18+$0x0];
	s19 =	sshrl.u32 s14, $0x3;
	(v2sf) =	vpush v2, $0xE  }
0x34: {  	s20 =	sor.u32 s20, s8;
	s24 =	sor.u32 s24, s23;
	s31 =	spop (v2sf)  }
0x35: {  	s26 =	sshrl.u32 s24, $0x3;
	s24 =	sor.u32 s21, s22;
	s21 =	spop (v2sf);
	(v2sf) =	vpush v1, $0xF  }
0x36: {  	s14 =	simm.s32 $0x0;
	s28 =	sshrl.u32 s20, $0x3;
	s0 =	spop (v2sf);
	(v2sf) =	vpush v1, $0xB  }
0x37: {  	s23 =	simm.s32 $0x400;
	s29 =	sor.u32 s25, s10;
	s1 =	spop (v2sf);
	(v2sf) =	vpush v2, $0xF  }
0x38: {  	s25 =	simm.s32 $0x280;
	s22 =	simm.s32 $0x480;
	v1 =	vand.u32 $0x7, v3;
	v2 =	vshrl.u32 v3, $0x3;
	s20 =	spop (v2sf)  }
.LBB2_2:
0x39: {  	s10 =	sor.u32 s21, s31;
	s31 =	sadd.s32 $0x300, s14  }
0x3a: {  	v2 =	vshll.u32 v2, $0xA;
	v1 =	vshll.u32 v1, $0x7;
	s4 =	spop (v2sf);
	s21 =	smov.u32 s12;
	s12 =	smov.u32 s17  }
0x3b: {  	s5 =	sadd.s32 $0x200, s14;
	s10 =	sshrl.u32 s10, $0x3;
	s6 =	spop (v2sf)  }
0x3c: {  	s0 =	sor.u32 s1, s0;
	(v2sf) =	vpush v1, $0xA;
	s1 =	sor.u32 s6, s4;
	s4 =	spop (v2sf)  }
0x3d: {  	s0 =	sshrl.u32 s0, $0x3;
	s6 =	sshrl.u32 s29, $0x3;
	s29 =	spop (v2sf)  }
0x3e: {  	s8 =	sshrl.u32 s24, $0x3;
	s24 =	sshrl.u32 s1, $0x3;
	(v2sf) =	vpush v2, $0x9;
	s1 =	spop (v2sf)  }
0x3f: {  	s0 =	sadd.s32 s3, s0;
	s10 =	sadd.s32 s3, s10;
	s7 =	spop (v2sf)  }
0x40: {  	p0 =	sne.s32 s17, $0x2E000;
	s1 =	sor.u32 s1, s4;
	(v2sf) =	vpush v2, $0xA;
	s4 =	spop (v2sf)  }
0x41: {  	[tilespmem:s30], [sflag:$0x1] =	stream.linear.gather [hbm4b:s0+s2], $0x80, $0x38;
	[tilespmem:$0xCA00] =	vst v63  }
0x42: {  	s17 =	sadd.s32 $0x2000, s17;
	s0 =	sadd.s32 s3, s26;
	(v2sf) =	vpush v2, $0x8;
	s26 =	spop (v2sf)  }
0x43: {  	[tilespmem:s5], [sflag:$0x1] =	stream.linear.gather [hbm4b:s10+s2], $0x80, $0x38;
	[tilespmem:$0xCA00] =	vst v63  }
0x44: {  	s5 =	sor.u32 s7, s29;
	s4 =	sor.u32 s26, s4;
	(v2sf) =	vpush v1, $0x9;
	s7 =	spop (v2sf)  }
0x45: {  	s6 =	sadd.s32 s3, s6;
	s10 =	sadd.s32 s3, s19;
	s19 =	spop (v2sf)  }
0x46: {  	s29 =	sadd.s32 s3, s28;
	s26 =	sshrl.u32 s4, $0x3;
	(v2sf) =	vpush v1, $0x7;
	s4 =	spop (v2sf)  }
0x47: {  	s8 =	sadd.s32 s3, s8;
	s5 =	sshrl.u32 s5, $0x3;
	s4 =	sor.u32 s4, s7  }
0x48: {  	(v2sf) =	vpush v2, $0x7;
	[tilespmem:s25], [sflag:$0x1] =	stream.linear.gather [hbm4b:s6+s2], $0x80, $0x38;
	[tilespmem:$0xCA00] =	vst v63  }
0x49: {  	s28 =	sshrl.u32 s1, $0x3;
	s5 =	sadd.s32 s3, s5;
	s25 =	sshrl.u32 s4, $0x3;
	(v2sf) =	vpush v1, $0x8  }
0x4a: {  	(v2sf) =	vpush v1, $0x5;
	[tilespmem:s31], [sflag:$0x1] =	stream.linear.gather [hbm4b:s0+s2], $0x80, $0x38;
	[tilespmem:$0xCA00] =	vst v63  }
0x4b: {  	s1 =	sadd.s32 $0x380, s14;
	s4 =	sshrl.u32 s15, $0x3;
	(v2sf) =	vpush v1, $0x4;
	s0 =	spop (v2sf)  }
0x4c: {  	[tilespmem:s1], [sflag:$0x1] =	stream.linear.gather [hbm4b:s8+s2], $0x80, $0x38;
	[tilespmem:$0xCA00] =	vst v63  }
0x4d: {  	s7 =	sadd.s32 s3, s16;
	s6 =	sadd.s32 $0x500, s14;
	(v2sf) =	vpush v2, $0x4;
	s1 =	spop (v2sf)  }
0x4e: {  	(v2sf) =	vpush v2, $0x5;
	[tilespmem:s23], [sflag:$0x1] =	stream.linear.gather [hbm4b:s29+s2], $0x80, $0x38;
	[tilespmem:$0xCA00] =	vst v63  }
0x4f: {  	s15 =	sadd.s32 $0x580, s14;
	s4 =	sadd.s32 s3, s4;
	s8 =	spop (v2sf)  }
0x50: {  	(v2sf) =	vpush v2, $0x3;
	[tilespmem:s22], [sflag:$0x1] =	stream.linear.gather [hbm4b:s5+s2], $0x80, $0x38;
	[tilespmem:$0xCA00] =	vst v63  }
0x51: {  	s19 =	sor.u32 s20, s19;
	s16 =	sadd.s32 $0x600, s14;
	s5 =	spop (v2sf)  }
0x52: {  	(v2sf) =	vpush v2, $0x2;
	[tilespmem:s6], [sflag:$0x1] =	stream.linear.gather [hbm4b:s7+s2], $0x80, $0x38;
	[tilespmem:$0xCA00] =	vst v63  }
0x53: {  	s19 =	sshrl.u32 s19, $0x3;
	s7 =	sadd.s32 $0x680, s14;
	s6 =	spop (v2sf)  }
0x54: {  	(v2sf) =	vpush v1, $0x3;
	[tilespmem:s15], [sflag:$0x1] =	stream.linear.gather [hbm4b:s10+s2], $0x80, $0x38;
	[tilespmem:$0xCA00] =	vst v63  }
0x55: {  	s0 =	sor.u32 s0, s8;
	s15 =	sor.u32 s6, s1;
	s1 =	spop (v2sf)  }
0x56: {  	(v2sf) =	vpush v1, $0x2;
	[tilespmem:s16], [sflag:$0x1] =	stream.linear.gather [hbm4b:s4+s2], $0x80, $0x38;
	[tilespmem:$0xCA00] =	vst v63  }
0x57: {  	s18 =	sadd.s32 $0x10, s18;
	s0 =	sshrl.u32 s0, $0x3;
	s4 =	spop (v2sf)  }
0x58: {  	s6 =	sadd.s32 s3, s19;
	s1 =	sor.u32 s1, s4;
	(v2sf) =	vpush v2, $0x1;
	s4 =	spop (v2sf)  }
0x59: {  	s16 =	sshrl.u32 s1, $0x3;
	s1 =	sor.u32 s4, s5;
	(v2sf) =	vpush v1, $0x1;
	s20 =	spop (v2sf)  }
0x5a: {  	s4 =	sadd.s32 s3, s13;
	s19 =	sshrl.u32 s1, $0x3;
	(v2sf) =	vpush v2, $0x0;
	s1 =	spop (v2sf)  }
0x5b: {  	(v2sf) =	vpush v1, $0x0;
	[tilespmem:s7], [sflag:$0x1] =	stream.linear.gather [hbm4b:s4+s2], $0x80, $0x38;
	[tilespmem:$0xCA00] =	vst v63  }
0x5c: {  	s8 =	sadd.s32 s3, s28;
	s13 =	smov.u32 s0;
	s4 =	spop (v2sf);
	(v2sf) =	vpush v1, $0xB  }
0x5d: {  	s5 =	sadd.s32 $0x700, s14;
	s7 =	sadd.s32 $0x780, s14;
	s0 =	spop (v2sf);
	(v2sf) =	vpush v2, $0xC  }
0x5e: {  	(v2sf) =	vpush v1, $0xC;
	[tilespmem:s5], [sflag:$0x1] =	stream.linear.gather [hbm4b:s6+s2], $0x80, $0x38;
	[tilespmem:$0xCA00] =	vst v63  }
0x5f: {  	s10 =	sadd.s32 s3, s26;
	s6 =	sadd.s32 s3, s24;
	s5 =	spop (v2sf);
	(v2sf) =	vpush v2, $0xD  }
0x60: {  	(v2sf) =	vpush v2, $0x6;
	[tilespmem:s7], [sflag:$0x1] =	stream.linear.gather [hbm4b:s6+s2], $0x80, $0x38;
	[tilespmem:$0xCA00] =	vst v63  }
0x61: {  	s24 =	sor.u32 s1, s4;
	s7 =	sadd.s32 $0x800, s14;
	s6 =	spop (v2sf);
	(v2sf) =	vpush v1, $0xD  }
0x62: {  	(v2sf) =	vpush v1, $0x6;
	[tilespmem:s7], [sflag:$0x1] =	stream.linear.gather [hbm4b:s8+s2], $0x80, $0x38;
	[tilespmem:$0xCA00] =	vst v63  }
0x63: {  	s8 =	sadd.s32 $0x880, s14;
	s14 =	sadd.s32 $0x900, s14;
	s7 =	spop (v2sf);
	(v2sf) =	vpush v2, $0xE  }
0x64: {  	[tilespmem:s8], [sflag:$0x1] =	stream.linear.gather [hbm4b:s10+s2], $0x80, $0x38;
	[tilespmem:$0xCA00] =	vst v63  }
0x65: {  	s5 =	sor.u32 s7, s5;
	s8 =	sadd.s32 s3, s25;
	s7 =	spop (v2sf);
	(v2sf) =	vpush v1, $0xE  }
0x66: {  	v3 =	vld [tilespmem:s18+$0x0];
	[tilespmem:s14], [sflag:$0x1] =	stream.linear.gather [hbm4b:s8+s2], $0x80, $0x38  }
.Ltmp0:
0x67: {  	s26 =	sshrl.u32 s5, $0x3;
	s31 =	spop (v2sf);
	(v2sf) =	vpush v2, $0xF;
	(pc) =	sbr.rel @p0 .LBB2_2-.Ltmp0, $4  }
0x68: {  	s14 =	sshra.s32 s21, $0x2;
	s29 =	sor.u32 s7, s6;
	s21 =	spop (v2sf);
	(v2sf) =	vpush v2, $0xB  }
0x69: {  	s4 =	sor.u32 s20, s0;
	s25 =	sadd.s32 $0x280, s14;
	s0 =	spop (v2sf);
	(v2sf) =	vpush v1, $0xF  }
0x6a: {  	s30 =	sadd.s32 $0x180, s14;
	s22 =	sadd.s32 $0x480, s14;
	s1 =	spop (v2sf)  }
0x6b: {  	s28 =	sshrl.u32 s4, $0x3;
	s23 =	sadd.s32 $0x400, s14;
	v2 =	vshrl.u32 v3, $0x3;
	v1 =	vand.u32 $0x7, v3;
	s20 =	spop (v2sf)  }
0x6c: {  	s4 =	spop (v2sf);
	s0 =	sor.u32 s1, s0  }
0x6d: {  	s1 =	spop (v2sf);
	s0 =	sshrl.u32 s0, $0x3  }
0x6e: {  	v1 =	vshll.u32 v1, $0x7;
	s5 =	sor.u32 s21, s31;
	s31 =	spop (v2sf);
	s0 =	sadd.s32 s3, s0  }
0x6f: {  	v2 =	vshll.u32 v2, $0xA;
	(v2sf) =	vpush v1, $0xA;
	[tilespmem:s30], [sflag:$0x1] =	stream.linear.gather [hbm4b:s0+s2], $0x80, $0x38;
	[tilespmem:$0xCA00] =	vst v63  }
0x70: {  	s5 =	sshrl.u32 s5, $0x3;
	(v2sf) =	vpush v2, $0x9;
	s6 =	spop (v2sf)  }
0x71: {  	s18 =	sadd.s32 $0x200, s14;
	s5 =	sadd.s32 s3, s5;
	s8 =	spop (v2sf)  }
0x72: {  	(v2sf) =	vpush v2, $0xA;
	[tilespmem:s18], [sflag:$0x1] =	stream.linear.gather [hbm4b:s5+s2], $0x80, $0x38;
	[tilespmem:$0xCA00] =	vst v63  }
0x73: {  	s7 =	sshrl.u32 s29, $0x3;
	s10 =	sshrl.u32 s24, $0x3;
	(v2sf) =	vpush v2, $0x8;
	s21 =	spop (v2sf)  }
0x74: {  	s17 =	sadd.s32 s3, s26;
	s29 =	sadd.s32 s3, s7;
	s7 =	spop (v2sf)  }
0x75: {  	(v2sf) =	vpush v1, $0x9;
	[tilespmem:s25], [sflag:$0x1] =	stream.linear.gather [hbm4b:s29+s2], $0x80, $0x38;
	[tilespmem:$0xCA00] =	vst v63  }
0x76: {  	s10 =	sadd.s32 s3, s10;
	s30 =	sadd.s32 $0x300, s14;
	(v2sf) =	vpush v1, $0x7;
	s24 =	spop (v2sf)  }
0x77: {  	[tilespmem:s30], [sflag:$0x1] =	stream.linear.gather [hbm4b:s17+s2], $0x80, $0x38;
	[tilespmem:$0xCA00] =	vst v63  }
0x78: {  	s18 =	sadd.s32 $0x380, s14;
	s0 =	sor.u32 s21, s6;
	(v2sf) =	vpush v2, $0x7;
	s5 =	spop (v2sf)  }
0x79: {  	[tilespmem:s18], [sflag:$0x1] =	stream.linear.gather [hbm4b:s10+s2], $0x80, $0x38;
	[tilespmem:$0xCA00] =	vst v63  }
0x7a: {  	s21 =	sadd.s32 s3, s28;
	s0 =	sshrl.u32 s0, $0x3;
	(v2sf) =	vpush v1, $0x8;
	s10 =	spop (v2sf)  }
0x7b: {  	[tilespmem:s23], [sflag:$0x1] =	stream.linear.gather [hbm4b:s21+s2], $0x80, $0x38;
	[tilespmem:$0xCA00] =	vst v63  }
0x7c: {  	s1 =	sor.u32 s1, s4;
	s0 =	sadd.s32 s3, s0;
	(v2sf) =	vpush v1, $0x5;
	s4 =	spop (v2sf)  }
0x7d: {  	(v2sf) =	vpush v1, $0x4;
	[tilespmem:s22], [sflag:$0x1] =	stream.linear.gather [hbm4b:s0+s2], $0x80, $0x38;
	[tilespmem:$0xCA00] =	vst v63  }
0x7e: {  	s26 =	sadd.s32 s3, s16;
	s13 =	sadd.s32 s3, s13;
	s17 =	spop (v2sf)  }
0x7f: {  	s1 =	sshrl.u32 s1, $0x3;
	s25 =	sadd.s32 $0x500, s14;
	s18 =	spop (v2sf)  }
0x80: {  	[tilespmem:s25], [sflag:$0x1] =	stream.linear.gather [hbm4b:s26+s2], $0x80, $0x38;
	[tilespmem:$0xCA00] =	vst v63  }
0x81: {  	s1 =	sadd.s32 s3, s1;
	s23 =	sadd.s32 s3, s19;
	(v2sf) =	vpush v2, $0x4;
	s19 =	spop (v2sf)  }
0x82: {  	s28 =	sshrl.u32 s15, $0x3;
	s29 =	sadd.s32 $0x580, s14;
	s16 =	spop (v2sf)  }
0x83: {  	(v2sf) =	vpush v2, $0x5;
	[tilespmem:s29], [sflag:$0x1] =	stream.linear.gather [hbm4b:s23+s2], $0x80, $0x38;
	[tilespmem:$0xCA00] =	vst v63  }
0x84: {  	s30 =	sadd.s32 $0x600, s14;
	s4 =	sor.u32 s4, s5;
	(v2sf) =	vpush v2, $0x3;
	s15 =	spop (v2sf)  }
0x85: {  	s0 =	sadd.s32 s3, s28;
	s26 =	sor.u32 s20, s10;
	(v2sf) =	vpush v2, $0x2;
	s21 =	spop (v2sf)  }
0x86: {  	(v2sf) =	vpush v1, $0x3;
	[tilespmem:s30], [sflag:$0x1] =	stream.linear.gather [hbm4b:s0+s2], $0x80, $0x38;
	[tilespmem:$0xCA00] =	vst v63  }
0x87: {  	s28 =	sadd.s32 $0x680, s14;
	s5 =	sshrl.u32 s26, $0x3;
	(v2sf) =	vpush v1, $0x2;
	s23 =	spop (v2sf)  }
0x88: {  	[tilespmem:s28], [sflag:$0x1] =	stream.linear.gather [hbm4b:s13+s2], $0x80, $0x38;
	[tilespmem:$0xCA00] =	vst v63  }
0x89: {  	s5 =	sadd.s32 s3, s5;
	s29 =	sadd.s32 $0x700, s14;
	s22 =	spop (v2sf)  }
0x8a: {  	(v2sf) =	vpush v2, $0x1;
	[tilespmem:s29], [sflag:$0x1] =	stream.linear.gather [hbm4b:s5+s2], $0x80, $0x38;
	[tilespmem:$0xCA00] =	vst v63  }
0x8b: {  	s8 =	sor.u32 s8, s31;
	s25 =	sor.u32 s24, s7;
	(v2sf) =	vpush v1, $0x1;
	s7 =	spop (v2sf)  }
0x8c: {  	s0 =	sshrl.u32 s8, $0x3;
	s30 =	sadd.s32 $0x780, s14;
	(v2sf) =	vpush v2, $0x0;
	s10 =	spop (v2sf)  }
0x8d: {  	(v2sf) =	vpush v1, $0x0;
	[tilespmem:s30], [sflag:$0x1] =	stream.linear.gather [hbm4b:s1+s2], $0x80, $0x38;
	[tilespmem:$0xCA00] =	vst v63  }
0x8e: {  	s31 =	sadd.s32 $0x800, s14;
	s6 =	sshrl.u32 s25, $0x3;
	s0 =	sadd.s32 s3, s0  }
0x8f: {  	[tilespmem:s31], [sflag:$0x1] =	stream.linear.gather [hbm4b:s0+s2], $0x80, $0x38;
	[tilespmem:$0xCA00] =	vst v63  }
0x90: {  	s24 =	sadd.s32 $0x880, s14;
	s6 =	sadd.s32 s3, s6;
	s8 =	spop (v2sf)  }
0x91: {  	[tilespmem:s24], [sflag:$0x1] =	stream.linear.gather [hbm4b:s6+s2], $0x80, $0x38;
	[tilespmem:$0xCA00] =	vst v63  }
0x92: {  	s13 =	spop (v2sf)  }
0x93: {  	s20 =	spop (v2sf)  }
0x94: {  	s1 =	spop (v2sf)  }
0x95: {  	s5 =	spop (v2sf)  }
0x96: {  	s4 =	sshrl.u32 s4, $0x3;
	s6 =	spop (v2sf);
	(v2sf) =	vpush v1, $0xB  }
0x97: {  	s4 =	sadd.s32 s3, s4;
	s25 =	sadd.s32 $0x900, s14;
	(v2sf) =	vpush v2, $0xC  }
0x98: {  	[tilespmem:s25], [sflag:$0x1] =	stream.linear.gather [hbm4b:s4+s2], $0x80, $0x38;
	[tilespmem:$0xCA00] =	vst v63  }
0x99: {  	s26 =	spop (v2sf);
	(v2sf) =	vpush v1, $0xC  }
0x9a: {  	(v2sf) =	vpush v2, $0xD;
	s28 =	spop (v2sf)  }
0x9b: {  	s29 =	spop (v2sf)  }
0x9c: {  	s12 =	sshra.s32 s12, $0x2;
	(v2sf) =	vpush v2, $0x6;
	s30 =	spop (v2sf)  }
0x9d: {  	s31 =	sadd.s32 $0x180, s12;
	s14 =	sor.u32 s30, s29  }
0x9e: {  	s24 =	sadd.s32 $0x200, s12;
	s0 =	sor.u32 s28, s26;
	(v2sf) =	vpush v1, $0xD;
	s14 =	sshrl.u32 s14, $0x3  }
0x9f: {  	s1 =	sor.u32 s6, s1;
	s0 =	sshrl.u32 s0, $0x3;
	(v2sf) =	vpush v1, $0x6;
	s14 =	sadd.s32 s3, s14  }
0xa0: {  	[tilespmem:s31], [sflag:$0x1] =	stream.linear.gather [hbm4b:s14+s2], $0x80, $0x38;
	[tilespmem:$0xCA00] =	vst v63  }
0xa1: {  	s25 =	sor.u32 s5, s20;
	s1 =	sshrl.u32 s1, $0x3;
	s0 =	sadd.s32 s3, s0  }
0xa2: {  	[tilespmem:s24], [sflag:$0x1] =	stream.linear.gather [hbm4b:s0+s2], $0x80, $0x38;
	[tilespmem:$0xCA00] =	vst v63  }
0xa3: {  	s1 =	sadd.s32 s3, s1;
	s26 =	sor.u32 s10, s8;
	s28 =	sadd.s32 $0x280, s12  }
0xa4: {  	[tilespmem:s28], [sflag:$0x1] =	stream.linear.gather [hbm4b:s1+s2], $0x80, $0x38;
	[tilespmem:$0xCA00] =	vst v63  }
0xa5: {  	s29 =	sor.u32 s7, s13;
	s0 =	sshrl.u32 s25, $0x3;
	s7 =	spop (v2sf)  }
0xa6: {  	s31 =	sadd.s32 $0x300, s12;
	s0 =	sadd.s32 s3, s0;
	s6 =	spop (v2sf)  }
0xa7: {  	[tilespmem:s31], [sflag:$0x1] =	stream.linear.gather [hbm4b:s0+s2], $0x80, $0x38;
	[tilespmem:$0xCA00] =	vst v63  }
0xa8: {  	s10 =	sadd.s32 $0x380, s12;
	s4 =	sshrl.u32 s26, $0x3;
	s8 =	spop (v2sf)  }
0xa9: {  	s4 =	sadd.s32 s3, s4;
	s30 =	sshrl.u32 s29, $0x3;
	(v2sf) =	vpush v2, $0xE;
	s0 =	spop (v2sf)  }
0xaa: {  	[tilespmem:s10], [sflag:$0x1] =	stream.linear.gather [hbm4b:s4+s2], $0x80, $0x38;
	[tilespmem:$0xCA00] =	vst v63  }
0xab: {  	s13 =	sadd.s32 $0x400, s12;
	s1 =	sadd.s32 s3, s30;
	(v2sf) =	vpush v1, $0xE;
	s14 =	spop (v2sf)  }
0xac: {  	(v2sf) =	vpush v2, $0xF;
	[tilespmem:s13], [sflag:$0x1] =	stream.linear.gather [hbm4b:s1+s2], $0x80, $0x38;
	[tilespmem:$0xCA00] =	vst v63  }
0xad: {  	s1 =	spop (v2sf)  }
0xae: {  	(v2sf) =	vpush v2, $0xB;
	s20 =	spop (v2sf)  }
0xaf: {  	s4 =	sor.u32 s20, s14  }
0xb0: {  	s29 =	sor.u32 s22, s16;
	s4 =	sshrl.u32 s4, $0x3  }
0xb1: {  	s24 =	sadd.s32 $0x480, s12;
	s25 =	sor.u32 s21, s23;
	s4 =	sadd.s32 s3, s4  }
0xb2: {  	[tilespmem:s24], [sflag:$0x1] =	stream.linear.gather [hbm4b:s4+s2], $0x80, $0x38;
	[tilespmem:$0xCA00] =	vst v63  }
0xb3: {  	s26 =	sadd.s32 $0x500, s12;
	s5 =	sshrl.u32 s29, $0x3;
	s4 =	sshrl.u32 s25, $0x3  }
0xb4: {  	s5 =	sadd.s32 s3, s5;
	s30 =	sor.u32 s15, s18;
	s4 =	sadd.s32 s3, s4  }
0xb5: {  	[tilespmem:s26], [sflag:$0x1] =	stream.linear.gather [hbm4b:s4+s2], $0x80, $0x38;
	[tilespmem:$0xCA00] =	vst v63  }
0xb6: {  	s28 =	sor.u32 s17, s19;
	s31 =	sadd.s32 $0x580, s12;
	s10 =	sshrl.u32 s30, $0x3  }
0xb7: {  	[tilespmem:s31], [sflag:$0x1] =	stream.linear.gather [hbm4b:s5+s2], $0x80, $0x38;
	[tilespmem:$0xCA00] =	vst v63  }
0xb8: {  	s15 =	sadd.s32 $0x600, s12;
	s10 =	sadd.s32 s3, s10;
	s14 =	spop (v2sf)  }
0xb9: {  	[tilespmem:s15], [sflag:$0x1] =	stream.linear.gather [hbm4b:s10+s2], $0x80, $0x38;
	[tilespmem:$0xCA00] =	vst v63  }
0xba: {  	s4 =	sshrl.u32 s28, $0x3;
	(v2sf) =	vpush v1, $0xF;
	s16 =	spop (v2sf)  }
0xbb: {  	s17 =	sadd.s32 $0x680, s12;
	s4 =	sadd.s32 s3, s4;
	s18 =	spop (v2sf)  }
0xbc: {  	[tilespmem:s17], [sflag:$0x1] =	stream.linear.gather [hbm4b:s4+s2], $0x80, $0x38;
	[tilespmem:$0xCA00] =	vst v63  }
0xbd: {  	s19 =	spop (v2sf)  }
0xbe: {  	s6 =	sor.u32 s8, s6;
	s7 =	sor.u32 s7, s19  }
0xbf: {  	s6 =	sshrl.u32 s6, $0x3;
	s7 =	sshrl.u32 s7, $0x3  }
0xc0: {  	s0 =	sor.u32 s1, s0;
	s20 =	sadd.s32 $0x700, s12;
	s7 =	sadd.s32 s3, s7  }
0xc1: {  	[tilespmem:s20], [sflag:$0x1] =	stream.linear.gather [hbm4b:s7+s2], $0x80, $0x38;
	[tilespmem:$0xCA00] =	vst v63  }
0xc2: {  	s21 =	sadd.s32 $0x780, s12;
	s6 =	sadd.s32 s3, s6;
	s0 =	sshrl.u32 s0, $0x3  }
0xc3: {  	[tilespmem:s21], [sflag:$0x1] =	stream.linear.gather [hbm4b:s6+s2], $0x80, $0x38;
	[tilespmem:$0xCA00] =	vst v63  }
0xc4: {  	s22 =	sadd.s32 $0x800, s12;
	s0 =	sadd.s32 s3, s0;
	s23 =	sor.u32 s16, s14  }
0xc5: {  	[tilespmem:s22], [sflag:$0x1] =	stream.linear.gather [hbm4b:s0+s2], $0x80, $0x38;
	[tilespmem:$0xCA00] =	vst v63  }
0xc6: {  	s0 =	sshrl.u32 s23, $0x3  }
0xc7: {  	s24 =	sadd.s32 $0x880, s12;
	s0 =	sadd.s32 s3, s0  }
0xc8: {  	[tilespmem:s24], [sflag:$0x1] =	stream.linear.gather [hbm4b:s0+s2], $0x80, $0x38;
	[tilespmem:$0xCA00] =	vst v63  }
0xc9: {  	s25 =	spop (v2sf)  }
0xca: {  	s0 =	sor.u32 s25, s18  }
0xcb: {  	s0 =	sshrl.u32 s0, $0x3  }
0xcc: {  	s26 =	sadd.s32 $0x900, s12;
	s28 =	simm.s32 $0x1;
	s0 =	sadd.s32 s3, s0  }
0xcd: {  	[tilespmem:s26], [sflag:$0x1] =	stream.linear.gather [hbm4b:s0+s2], $0x80, $0x38;
	[tilespmem:$0xCA00] =	vst v63  }
0xce: {  	_ =	swait.ge [sflag:s28], $0xC000  }
0xcf: {  	[sflag:s28] =	ssyncset.done $0x0  }
0xd0: {  	s29 =	simm.s32 $0x300;
	[sflag:s28] =	ssyncadd.s32 $0xFFFF4000  }
0xd1: {  	v1 =	vld [tilespmem:s29+$0x120]  }
0xd2: {  	v2 =	vld [tilespmem:s29+$0x100]  }
0xd3: {  	v3 =	vld [tilespmem:s29+$0x20]  }
0xd4: {  	v4 =	vld [tilespmem:s29+$0x0]  }
0xd5: {  	v5 =	vld [tilespmem:s29+$0x80]  }
0xd6: {  	v6 =	vld [tilespmem:s29+$0x10]  }
0xd7: {  	v7 =	vld [tilespmem:s29+$0x90]  }
0xd8: {  	v8 =	vld [tilespmem:s29+$0xA0]  }
0xd9: {  	v9 =	vld [tilespmem:s29+$0x110]  }
0xda: {  	v10 =	vld [tilespmem:s29+$0x30]  }
0xdb: {  	v11 =	vld [tilespmem:s29+$0xB0]  }
0xdc: {  	v12 =	vld [tilespmem:s29+$0xFFFFFF00]  }
0xdd: {  	v13 =	vld [tilespmem:s29+$0x130]  }
0xde: {  	v14 =	vld [tilespmem:s29+$0xFFFFFE90]  }
0xdf: {  	v15 =	vld [tilespmem:s29+$0xFFFFFF10]  }
0xe0: {  	v16 =	vld [tilespmem:s29+$0xFFFFFE80]  }
0xe1: {  	v17 =	vld [tilespmem:s29+$0xFFFFFF80]  }
0xe2: {  	v18 =	vld [tilespmem:s29+$0xFFFFFF90]  }
0xe3: {  	s30 =	simm.s32 $0x1;
	v19 =	vld [tilespmem:s29+$0xFFFFFEA0];
	v4 =	vmul.f32 v5, v4;
	v5 =	vmul.f32 v7, v6  }
0xe4: {  	v20 =	vld [tilespmem:s29+$0xFFFFFF30];
	v3 =	vmul.f32 v8, v3;
	v7 =	vmov s30  }
0xe5: {  	v6 =	vld [tilespmem:s29+$0xFFFFFF20];
	v2 =	vmul.f32 v2, v4;
	v4 =	vmul.f32 v9, v5;
	v5 =	vand.u32 $0x7F, v7  }
0xe6: {  	v8 =	vld [tilespmem:s29+$0xFFFFFFA0];
	v7 =	vmul.f32 v15, v14;
	v5 =	vbroadcast v5, $0x0  }
0xe7: {  	s12 =	simm.s32 $0x600;
	v9 =	vld [tilespmem:s29+$0xFFFFFEB0];
	v3 =	vmul.f32 v1, v3;
	v2 =	vadd.f32 v4, v2;
	v4 =	vmul.f32 v11, v10  }
0xe8: {  	s31 =	simm.s32 $0x0;
	v1 =	vld [tilespmem:s12+$0x120];
	v11 =	vmul.f32 v12, v16;
	v61 =	vmul.f32 v18, v7;
	v5 =	vor.u32 v0, v5  }
0xe9: {  	v10 =	vld [tilespmem:s29+$0xFFFFFFB0];
	v7 =	vmov s31;
	v60 =	vadd.f32 v3, v2;
	v4 =	vmul.f32 v13, v4  }
0xea: {  	v6 =	vmul.f32 v6, v19;
	v62 =	vand.u32 $0x7E, v7;
	v7 =	vld [tilespmem:s12+$0x0];
	v11 =	vmul.f32 v17, v11  }
0xeb: {  	v2 =	vld [tilespmem:s12+$0x100];
	v12 =	vbroadcast v62, $0x0;
	v4 =	vadd.f32 v4, v60  }
0xec: {  	v3 =	vld [tilespmem:s12+$0x20];
	v6 =	vmul.f32 v8, v6;
	v63 =	vmul.f32 v20, v9;
	v11 =	vadd.f32 v61, v11  }
0xed: {  	v8 =	vld [tilespmem:s12+$0x80];
	[tilespmem:v5+s9+$0x0] =	vst.idx.msk $0xffff, v4;
	v4 =	vor.u32 v0, v12  }
0xee: {  	v9 =	vld [tilespmem:s12+$0x10];
	v5 =	vadd.f32 v6, v11;
	v6 =	vmul.f32 v10, v63  }
0xef: {  	s13 =	simm.s32 $0x2;
	s14 =	simm.s32 $0x4;
	v10 =	vld [tilespmem:s12+$0x90]  }
.LBB2_4:
0xf0: {  	p0 =	slt.u32 s14, $0x7E;
	v11 =	vld [tilespmem:s12+$0xA0];
	v5 =	vadd.f32 v6, v5  }
0xf1: {  	v6 =	vld [tilespmem:s12+$0x110]  }
0xf2: {  	v12 =	vld [tilespmem:s12+$0x30];
	[tilespmem:v4+s9+$0x0] =	vst.idx.msk $0xffff, v5  }
0xf3: {  	v4 =	vld [tilespmem:s12+$0xB0]  }
0xf4: {  	s0 =	sadd.s32 $0x1, s13;
	v7 =	vmul.f32 v8, v7;
	v5 =	vld [tilespmem:s12+$0xFFFFFF00];
	v8 =	vmul.f32 v10, v9  }
0xf5: {  	v10 =	vmov s0;
	v3 =	vmul.f32 v11, v3;
	v9 =	vld [tilespmem:s12+$0x130]  }
0xf6: {  	v2 =	vmul.f32 v2, v7;
	v7 =	vand.u32 $0x7F, v10;
	v11 =	vld [tilespmem:s12+$0xFFFFFE90];
	v6 =	vmul.f32 v6, v8  }
0xf7: {  	v7 =	vbroadcast v7, $0x0;
	v8 =	vld [tilespmem:s12+$0xFFFFFF10]  }
0xf8: {  	v1 =	vmul.f32 v1, v3;
	v10 =	vld [tilespmem:s12+$0xFFFFFE80];
	v2 =	vadd.f32 v6, v2;
	v3 =	vmul.f32 v4, v12  }
0xf9: {  	v6 =	vor.u32 v0, v7;
	v4 =	vld [tilespmem:s12+$0xFFFFFF80]  }
0xfa: {  	v7 =	vld [tilespmem:s12+$0xFFFFFF90];
	v1 =	vadd.f32 v1, v2;
	v2 =	vmul.f32 v9, v3  }
0xfb: {  	v3 =	vld [tilespmem:s12+$0xFFFFFEA0]  }
0xfc: {  	v8 =	vmul.f32 v8, v11;
	v9 =	vld [tilespmem:s12+$0xFFFFFF20];
	v1 =	vadd.f32 v2, v1  }
0xfd: {  	v2 =	vmul.f32 v5, v10;
	v5 =	vld [tilespmem:s12+$0xFFFFFFA0]  }
0xfe: {  	v10 =	vld [tilespmem:s12+$0xFFFFFEB0];
	[tilespmem:v6+s9+$0x0] =	vst.idx.msk $0xffff, v1  }
0xff: {  	v2 =	vmul.f32 v4, v2;
	v4 =	vmul.f32 v7, v8;
	v6 =	vld [tilespmem:s12+$0xFFFFFF30]  }
0x100: {  	v11 =	vld [tilespmem:s12+$0xFFFFFFB0];
	s12 =	sadd.s32 $0x300, s12  }
0x101: {  	v1 =	vld [tilespmem:s12+$0x120];
	v4 =	vadd.f32 v4, v2;
	v7 =	vmul.f32 v9, v3;
	v3 =	vmov s13;
	s13 =	smov.u32 s14  }
0x102: {  	v2 =	vld [tilespmem:s12+$0x100];
	v8 =	vand.u32 $0x7E, v3  }
.Ltmp1:
0x103: {  	v3 =	vld [tilespmem:s12+$0x20];
	v5 =	vmul.f32 v5, v7;
	v9 =	vbroadcast v8, $0x0;
	(pc) =	sbr.rel @p0 .LBB2_4-.Ltmp1, $4  }
0x104: {  	v7 =	vld [tilespmem:s12+$0x0];
	v6 =	vmul.f32 v6, v10  }
0x105: {  	v8 =	vld [tilespmem:s12+$0x80];
	v5 =	vadd.f32 v5, v4;
	v4 =	vor.u32 v0, v9  }
0x106: {  	v9 =	vld [tilespmem:s12+$0x10];
	v6 =	vmul.f32 v11, v6  }
0x107: {  	s14 =	sadd.s32 $0x2, s14;
	v10 =	vld [tilespmem:s12+$0x90]  }
0x108: {  	v11 =	vld [tilespmem:s12+$0xA0]  }
0x109: {  	v12 =	vld [tilespmem:s12+$0x110]  }
0x10a: {  	v13 =	vld [tilespmem:s12+$0x30]  }
0x10b: {  	v14 =	vld [tilespmem:s12+$0xB0]  }
0x10c: {  	v15 =	vld [tilespmem:s12+$0xFFFFFF00]  }
0x10d: {  	v16 =	vld [tilespmem:s12+$0xFFFFFE90]  }
0x10e: {  	v17 =	vld [tilespmem:s12+$0xFFFFFF10]  }
0x10f: {  	v18 =	vld [tilespmem:s12+$0xFFFFFE80]  }
0x110: {  	v19 =	vld [tilespmem:s12+$0xFFFFFF80]  }
0x111: {  	v21 =	vld [tilespmem:s12+$0xFFFFFEA0]  }
0x112: {  	v44 =	vld [tilespmem:s12+$0xFFFFFF20];
	v7 =	vmul.f32 v8, v7  }
0x113: {  	v20 =	vld [tilespmem:s12+$0xFFFFFF90];
	s0 =	sadd.s32 $0x1, s13  }
0x114: {  	v47 =	vld [tilespmem:s12+$0xFFFFFEB0];
	v22 =	vmov s0;
	v43 =	vmul.f32 v10, v9;
	v2 =	vmul.f32 v2, v7  }
0x115: {  	v50 =	vld [tilespmem:s12+$0xFFFFFF30];
	v48 =	vand.u32 $0x7F, v22;
	v3 =	vmul.f32 v11, v3;
	v49 =	vmul.f32 v15, v18  }
0x116: {  	v45 =	vld [tilespmem:s12+$0xFFFFFFA0];
	v11 =	vbroadcast v48, $0x0;
	v52 =	vmul.f32 v17, v16  }
0x117: {  	v51 =	vld [tilespmem:s12+$0x130];
	v9 =	vmul.f32 v44, v21;
	v13 =	vmul.f32 v14, v13  }
0x118: {  	v53 =	vld [tilespmem:s12+$0xFFFFFFB0];
	v54 =	vmov s13;
	v46 =	vmul.f32 v12, v43;
	v1 =	vmul.f32 v1, v3  }
0x119: {  	v16 =	vand.u32 $0x7E, v54;
	v3 =	vmul.f32 v19, v49;
	v7 =	vmul.f32 v20, v52  }
0x11a: {  	v8 =	vmul.f32 v50, v47;
	v55 =	vbroadcast v16, $0x0;
	v2 =	vadd.f32 v46, v2  }
0x11b: {  	v11 =	vor.u32 v0, v11;
	v56 =	vmul.f32 v45, v9;
	v3 =	vadd.f32 v7, v3  }
0x11c: {  	v57 =	vor.u32 v0, v55;
	v1 =	vadd.f32 v1, v2;
	v2 =	vmul.f32 v51, v13  }
0x11d: {  	v5 =	vadd.f32 v6, v5;
	v58 =	vmul.f32 v53, v8;
	v3 =	vadd.f32 v56, v3  }
0x11e: {  	v1 =	vadd.f32 v2, v1  }
0x11f: {  	[tilespmem:v4+s9+$0x0] =	vst.idx.msk $0xffff, v5;
	v2 =	vadd.f32 v58, v3  }
0x120: {  	[tilespmem:v11+s9+$0x0] =	vst.idx.msk $0xffff, v1  }
0x121: {  	[tilespmem:v57+s9+$0x0] =	vst.idx.msk $0xffff, v2  }
0x122: {  	v1 =	vld [tilespmem:$0xC180]  }
0x123: {  	v2 =	vld [tilespmem:$0xC200]  }
0x124: {  	v3 =	vld [tilespmem:$0xC280]  }
0x125: {  	v4 =	vld [tilespmem:$0xC300]  }
0x126: {  	v5 =	vld [tilespmem:$0xC380]  }
0x127: {  	v59 =	vld [tilespmem:$0xC400]  }
0x128: {  	v60 =	vld [tilespmem:$0xC480]  }
0x129: {  	v61 =	vld [tilespmem:$0xC500]  }
0x12a: {  	v9 =	vld [tilespmem:$0xC580]  }
0x12b: {  	v62 =	vld [tilespmem:$0xC600]  }
0x12c: {  	v11 =	vld [tilespmem:$0xC680]  }
0x12d: {  	v63 =	vld [tilespmem:$0xC700]  }
0x12e: {  	v28 =	vld [tilespmem:$0xC780]  }
0x12f: {  	v29 =	vld [tilespmem:$0xC800]  }
0x130: {  	v30 =	vld [tilespmem:$0xC880]  }
0x131: {  	v31 =	vld [tilespmem:$0xC900]  }
0x132: {  	v32 =	vld [tilespmem:$0xC190]  }
0x133: {  	v33 =	vld [tilespmem:$0xC210]  }
0x134: {  	v34 =	vld [tilespmem:$0xC290];
	v1 =	vadd.f32 v2, v1  }
0x135: {  	v35 =	vld [tilespmem:$0xC390]  }
0x136: {  	v36 =	vld [tilespmem:$0xC490];
	v1 =	vadd.f32 v3, v1  }
0x137: {  	v37 =	vld [tilespmem:$0xC510]  }
0x138: {  	v38 =	vld [tilespmem:$0xC590];
	v1 =	vadd.f32 v4, v1  }
0x139: {  	v39 =	vld [tilespmem:$0xC610]  }
0x13a: {  	v23 =	vld [tilespmem:$0xC690];
	v1 =	vadd.f32 v5, v1  }
0x13b: {  	v40 =	vld [tilespmem:$0xC710]  }
0x13c: {  	v24 =	vld [tilespmem:$0xC790];
	v1 =	vadd.f32 v59, v1  }
0x13d: {  	v41 =	vld [tilespmem:$0xC810]  }
0x13e: {  	v25 =	vld [tilespmem:$0xC890];
	v1 =	vadd.f32 v60, v1  }
0x13f: {  	v42 =	vld [tilespmem:$0xC910]  }
0x140: {  	v2 =	vld [tilespmem:$0xC310];
	v1 =	vadd.f32 v61, v1  }
0x141: {  	v43 =	vld [tilespmem:$0xC1A0];
	v17 =	vadd.f32 v33, v32  }
0x142: {  	v44 =	vld [tilespmem:$0xC220];
	v1 =	vadd.f32 v9, v1  }
0x143: {  	v45 =	vld [tilespmem:$0xC2A0];
	v17 =	vadd.f32 v34, v17  }
0x144: {  	v3 =	vld [tilespmem:$0xC410];
	v1 =	vadd.f32 v62, v1  }
0x145: {  	v46 =	vld [tilespmem:$0xC320];
	v2 =	vadd.f32 v2, v17  }
0x146: {  	v47 =	vld [tilespmem:$0xC3A0];
	v1 =	vadd.f32 v11, v1  }
0x147: {  	v48 =	vld [tilespmem:$0xC420];
	v2 =	vadd.f32 v35, v2  }
0x148: {  	v49 =	vld [tilespmem:$0xC4A0];
	v1 =	vadd.f32 v63, v1  }
0x149: {  	v50 =	vld [tilespmem:$0xC520];
	v2 =	vadd.f32 v3, v2  }
0x14a: {  	v51 =	vld [tilespmem:$0xC620];
	v1 =	vadd.f32 v28, v1  }
0x14b: {  	v52 =	vld [tilespmem:$0xC6A0];
	v2 =	vadd.f32 v36, v2  }
0x14c: {  	v53 =	vld [tilespmem:$0xC720];
	v1 =	vadd.f32 v29, v1  }
0x14d: {  	v54 =	vld [tilespmem:$0xC7A0];
	v2 =	vadd.f32 v37, v2  }
0x14e: {  	v55 =	vld [tilespmem:$0xC820];
	v9 =	vadd.f32 v44, v43;
	v1 =	vadd.f32 v30, v1  }
0x14f: {  	v56 =	vld [tilespmem:$0xC8A0];
	v2 =	vadd.f32 v38, v2  }
0x150: {  	v57 =	vld [tilespmem:$0xC920];
	v9 =	vadd.f32 v45, v9;
	v1 =	vadd.f32 v31, v1  }
0x151: {  	v58 =	vld [tilespmem:$0xC1B0];
	v2 =	vadd.f32 v39, v2  }
0x152: {  	v26 =	vld [tilespmem:$0xC4B0];
	v9 =	vadd.f32 v46, v9;
	v1 =	vsub.f32 $0.0e+00, v1  }
0x153: {  	v27 =	vld [tilespmem:$0xC530];
	v2 =	vadd.f32 v23, v2  }
0x154: {  	v20 =	vld [tilespmem:$0xC260];
	v9 =	vadd.f32 v47, v9;
	v1 =	vmul.f32 $1.442695020e+00, v1  }
0x155: {  	v21 =	vld [tilespmem:$0xC750];
	v2 =	vadd.f32 v40, v2  }
0x156: {  	v59 =	vld [tilespmem:$0xC230];
	(erf) = vpow2.f32 v1;
	v1 =	vadd.f32 v48, v9  }
0x157: {  	v3 =	vld [tilespmem:$0xC5A0];
	v2 =	vadd.f32 v24, v2  }
0x158: {  	v60 =	vld [tilespmem:$0xC2B0];
	v1 =	vadd.f32 v49, v1  }
0x159: {  	v22 =	vld [tilespmem:$0xC2E0];
	v2 =	vadd.f32 v41, v2  }
0x15a: {  	v61 =	vld [tilespmem:$0xC330];
	v1 =	vadd.f32 v50, v1  }
0x15b: {  	v32 =	vld [tilespmem:$0xC830];
	v5 =	vadd.f32 v59, v58;
	v2 =	vadd.f32 v25, v2  }
0x15c: {  	v62 =	vld [tilespmem:$0xC3B0];
	v1 =	vadd.f32 v3, v1  }
0x15d: {  	v34 =	vld [tilespmem:$0xC8B0];
	v5 =	vadd.f32 v60, v5;
	v2 =	vadd.f32 v42, v2  }
0x15e: {  	v63 =	vld [tilespmem:$0xC430];
	v1 =	vadd.f32 v51, v1  }
0x15f: {  	v35 =	vld [tilespmem:$0xC930];
	v5 =	vadd.f32 v61, v5;
	v2 =	vsub.f32 $0.0e+00, v2;
	v33 =	vpop (erf)  }
0x160: {  	v36 =	vld [tilespmem:$0xC1C0];
	v19 =	vadd.f32 $1.000000000e+00, v33;
	v1 =	vadd.f32 v52, v1  }
0x161: {  	v37 =	vld [tilespmem:$0xC240];
	v5 =	vadd.f32 v62, v5;
	v2 =	vmul.f32 $1.442695020e+00, v2  }
0x162: {  	v59 =	vld [tilespmem:$0xC4D0];
	(erf) = vrcp.f32 v19;
	v1 =	vadd.f32 v53, v1  }
0x163: {  	v43 =	vld [tilespmem:$0xC540];
	(erf) = vpow2.f32 v2;
	v2 =	vadd.f32 v63, v5  }
0x164: {  	v28 =	vld [tilespmem:$0xC5B0];
	v1 =	vadd.f32 v54, v1  }
0x165: {  	v38 =	vld [tilespmem:$0xC2C0];
	v2 =	vadd.f32 v26, v2  }
0x166: {  	v29 =	vld [tilespmem:$0xC630];
	v1 =	vadd.f32 v55, v1  }
0x167: {  	v39 =	vld [tilespmem:$0xC340];
	v2 =	vadd.f32 v27, v2  }
0x168: {  	v6 =	vadd.f32 v37, v36;
	v30 =	vld [tilespmem:$0xC6B0];
	v1 =	vadd.f32 v56, v1  }
0x169: {  	v40 =	vld [tilespmem:$0xC3C0];
	v2 =	vadd.f32 v28, v2  }
0x16a: {  	v3 =	vld [tilespmem:$0xC730];
	v5 =	vadd.f32 v38, v6  }
0x16b: {  	v41 =	vld [tilespmem:$0xC440];
	v16 =	vadd.f32 v57, v1;
	v2 =	vadd.f32 v29, v2  }
0x16c: {  	v31 =	vld [tilespmem:$0xC7B0];
	v4 =	vadd.f32 v39, v5;
	v1 =	vpop (erf)  }
0x16d: {  	v44 =	vld [tilespmem:$0xC5C0];
	v16 =	vsub.f32 $0.0e+00, v16;
	v47 =	vpop (erf);
	v2 =	vadd.f32 v30, v2  }
0x16e: {  	v42 =	vld [tilespmem:$0xC4C0];
	v18 =	vadd.f32 $1.000000000e+00, v47  }
0x16f: {  	v60 =	vld [tilespmem:$0xC550];
	v4 =	vadd.f32 v40, v4;
	v16 =	vmul.f32 $1.442695020e+00, v16;
	v2 =	vadd.f32 v3, v2  }
0x170: {  	v51 =	vld [tilespmem:$0xC250];
	(erf) = vrcp.f32 v18  }
0x171: {  	v4 =	vadd.f32 v41, v4;
	v3 =	vld [tilespmem:$0xC1D0];
	(erf) = vpow2.f32 v16;
	v2 =	vadd.f32 v31, v2  }
0x172: {  	v45 =	vld [tilespmem:$0xC640]  }
0x173: {  	v53 =	vld [tilespmem:$0xC2D0];
	v4 =	vadd.f32 v42, v4;
	v2 =	vadd.f32 v32, v2  }
0x174: {  	v46 =	vld [tilespmem:$0xC6C0]  }
0x175: {  	v55 =	vld [tilespmem:$0xC350];
	v4 =	vadd.f32 v43, v4;
	v2 =	vadd.f32 v34, v2  }
0x176: {  	v36 =	vld [tilespmem:$0xC270];
	v3 =	vadd.f32 v51, v3  }
0x177: {  	v56 =	vld [tilespmem:$0xC3D0];
	v4 =	vadd.f32 v44, v4  }
0x178: {  	v48 =	vld [tilespmem:$0xC740];
	v3 =	vadd.f32 v53, v3;
	v58 =	vadd.f32 v35, v2  }
0x179: {  	v57 =	vld [tilespmem:$0xC450];
	v4 =	vadd.f32 v45, v4;
	v2 =	vpop (erf)  }
0x17a: {  	v49 =	vld [tilespmem:$0xC7C0];
	v3 =	vadd.f32 v55, v3;
	v16 =	vsub.f32 $0.0e+00, v58;
	v61 =	vpop (erf)  }
0x17b: {  	v37 =	vld [tilespmem:$0xC5E0];
	v4 =	vadd.f32 v46, v4;
	v17 =	vadd.f32 $1.000000000e+00, v61  }
0x17c: {  	v50 =	vld [tilespmem:$0xC840];
	v3 =	vadd.f32 v56, v3;
	v16 =	vmul.f32 $1.442695020e+00, v16  }
0x17d: {  	v52 =	vld [tilespmem:$0xC8C0];
	v4 =	vadd.f32 v48, v4;
	(erf) = vrcp.f32 v17  }
0x17e: {  	v19 =	vld [tilespmem:$0xC1E0];
	v3 =	vadd.f32 v57, v3;
	(erf) = vpow2.f32 v16  }
0x17f: {  	v62 =	vld [tilespmem:$0xC5D0];
	v4 =	vadd.f32 v49, v4  }
0x180: {  	v54 =	vld [tilespmem:$0xC940];
	v3 =	vadd.f32 v59, v3  }
0x181: {  	v63 =	vld [tilespmem:$0xC650];
	v4 =	vadd.f32 v50, v4  }
0x182: {  	v24 =	vld [tilespmem:$0xC360];
	v3 =	vadd.f32 v60, v3  }
0x183: {  	v5 =	vadd.f32 v20, v19;
	v18 =	vld [tilespmem:$0xC6D0];
	v4 =	vadd.f32 v52, v4  }
0x184: {  	v26 =	vld [tilespmem:$0xC3E0];
	v3 =	vadd.f32 v62, v3  }
0x185: {  	v23 =	vld [tilespmem:$0xC7D0];
	v5 =	vadd.f32 v22, v5;
	v4 =	vadd.f32 v54, v4  }
0x186: {  	v29 =	vld [tilespmem:$0xC460];
	v3 =	vadd.f32 v63, v3;
	v28 =	vpop (erf)  }
0x187: {  	v25 =	vld [tilespmem:$0xC850];
	v5 =	vadd.f32 v24, v5;
	v4 =	vsub.f32 $0.0e+00, v4;
	v30 =	vpop (erf)  }
0x188: {  	v32 =	vld [tilespmem:$0xC4E0];
	v3 =	vadd.f32 v18, v3;
	v15 =	vadd.f32 $1.000000000e+00, v30  }
0x189: {  	v33 =	vld [tilespmem:$0xC560];
	v5 =	vadd.f32 v26, v5;
	v4 =	vmul.f32 $1.442695020e+00, v4  }
0x18a: {  	v27 =	vld [tilespmem:$0xC8D0];
	v3 =	vadd.f32 v21, v3;
	(erf) = vrcp.f32 v15  }
0x18b: {  	v34 =	vld [tilespmem:$0xC1F0];
	v35 =	vadd.f32 v29, v5;
	(erf) = vpow2.f32 v4  }
0x18c: {  	v38 =	vld [tilespmem:$0xC2F0];
	v3 =	vadd.f32 v23, v3  }
0x18d: {  	v31 =	vld [tilespmem:$0xC950];
	v4 =	vadd.f32 v32, v35  }
0x18e: {  	v39 =	vld [tilespmem:$0xC660];
	v3 =	vadd.f32 v25, v3  }
0x18f: {  	v40 =	vld [tilespmem:$0xC370];
	v4 =	vadd.f32 v33, v4  }
0x190: {  	v41 =	vld [tilespmem:$0xC6E0];
	v5 =	vadd.f32 v36, v34;
	v3 =	vadd.f32 v27, v3  }
0x191: {  	v42 =	vld [tilespmem:$0xC3F0];
	v4 =	vadd.f32 v37, v4  }
0x192: {  	v43 =	vld [tilespmem:$0xC760];
	v5 =	vadd.f32 v38, v5;
	v3 =	vadd.f32 v31, v3  }
0x193: {  	v45 =	vld [tilespmem:$0xC470];
	v4 =	vadd.f32 v39, v4;
	v44 =	vpop (erf)  }
0x194: {  	v47 =	vld [tilespmem:$0xC7E0];
	v5 =	vadd.f32 v40, v5;
	v3 =	vsub.f32 $0.0e+00, v3;
	v46 =	vpop (erf)  }
0x195: {  	v48 =	vld [tilespmem:$0xC4F0];
	v4 =	vadd.f32 v41, v4;
	v11 =	vadd.f32 $1.000000000e+00, v46  }
0x196: {  	v49 =	vld [tilespmem:$0xC860];
	v5 =	vadd.f32 v42, v5;
	v3 =	vmul.f32 $1.442695020e+00, v3  }
0x197: {  	v50 =	vld [tilespmem:$0xC570];
	v4 =	vadd.f32 v43, v4;
	(erf) = vrcp.f32 v11  }
0x198: {  	v5 =	vadd.f32 v45, v5;
	(erf) = vpow2.f32 v3;
	v3 =	vld [tilespmem:$0xC8E0]  }
0x199: {  	v51 =	vld [tilespmem:$0xC5F0];
	v4 =	vadd.f32 v47, v4  }
0x19a: {  	v52 =	vld [tilespmem:$0xC960];
	v5 =	vadd.f32 v48, v5  }
0x19b: {  	v53 =	vld [tilespmem:$0xC670];
	v4 =	vadd.f32 v49, v4  }
0x19c: {  	v5 =	vadd.f32 v50, v5  }
0x19d: {  	v54 =	vld [tilespmem:$0xC6F0];
	v3 =	vadd.f32 v3, v4  }
0x19e: {  	v5 =	vadd.f32 v51, v5  }
0x19f: {  	v55 =	vld [tilespmem:$0xC770];
	v3 =	vadd.f32 v52, v3  }
0x1a0: {  	v5 =	vadd.f32 v53, v5;
	v56 =	vpop (erf)  }
0x1a1: {  	v58 =	vld [tilespmem:$0xC7F0];
	v57 =	vpop (erf);
	v3 =	vsub.f32 $0.0e+00, v3  }
0x1a2: {  	v4 =	vadd.f32 v54, v5;
	v8 =	vadd.f32 $1.000000000e+00, v57  }
0x1a3: {  	v59 =	vld [tilespmem:$0xC870];
	v3 =	vmul.f32 $1.442695020e+00, v3  }
0x1a4: {  	v4 =	vadd.f32 v55, v4;
	(erf) = vrcp.f32 v8  }
0x1a5: {  	(erf) = vpow2.f32 v3;
	v3 =	vld [tilespmem:$0xC8F0]  }
0x1a6: {  	v4 =	vadd.f32 v58, v4  }
0x1a7: {  	v60 =	vld [tilespmem:$0xC970]  }
0x1a8: {  	v4 =	vadd.f32 v59, v4;
	_ =	sdelay $0x1  }
0x1a9: {  	v3 =	vadd.f32 v3, v4;
	_ =	sdelay $0x1  }
0x1aa: {  	v3 =	vadd.f32 v60, v3  }
0x1ab: {  	v61 =	vpop (erf)  }
0x1ac: {  	v62 =	vpop (erf);
	v3 =	vsub.f32 $0.0e+00, v3  }
0x1ad: {  	v5 =	vadd.f32 $1.000000000e+00, v62  }
0x1ae: {  	v3 =	vmul.f32 $1.442695020e+00, v3  }
0x1af: {  	(erf) = vrcp.f32 v5  }
0x1b0: {  	(erf) = vpow2.f32 v3;
	_ =	sdelay $0x7  }
0x1b1: {  	v3 =	vpop (erf)  }
0x1b2: {  	v63 =	vpop (erf)  }
0x1b3: {  	v5 =	vadd.f32 $1.000000000e+00, v63;
	_ =	sdelay $0x1  }
0x1b4: {  	(erf) = vrcp.f32 v5;
	_ =	sdelay $0x2  }
0x1b5: {  	[tilespmem:$0xC980] =	vst v1  }
0x1b6: {  	[tilespmem:$0xC990] =	vst v2  }
0x1b7: {  	[tilespmem:$0xC9A0] =	vst v28  }
0x1b8: {  	[tilespmem:$0xC9B0] =	vst v44  }
0x1b9: {  	[tilespmem:$0xC9C0] =	vst v56  }
0x1ba: {  	[tilespmem:$0xC9D0] =	vst v61  }
0x1bb: {  	[tilespmem:$0xC9E0] =	vst v3;
	v1 =	vpop (erf)  }
0x1bc: {  	s1 =	simm.s32 $0xC980;
	s30 =	rddreg [dreg:$0x5];
	[tilespmem:$0xC9F0] =	vst v1  }
0x1bd: {  	[hbm4b:s30+s2] =	stream.linear.scatter [tilespmem:s1], [sflag:$0x2], $0x80, $0x38;
	[tilespmem:$0xCA00] =	vst v63  }
0x1be: {  	s1 =	simm.s32 $0x2  }
0x1bf: {  	_ =	swait.ge [sflag:s1], $0x80  }
0x1c0: {  	s11 =	sadd.s32 $0x1, s11;
	s31 =	rddreg [dreg:$0x6]  }
0x1c1: {  	p0 =	sne.s32 s11, s31  }
.Ltmp2:
0x1c2: {  	_ = 	snop;
	(pc) =	sbr.rel @p0 .LBB2_1-.Ltmp2, $3  }
0x1c3: {  	_ =	sdelay $0x1  }
0x1c4: {  	[sflag:s1] =	ssyncset.done $0x0  }
0x1c5: {  	[sflag:s1] =	ssyncadd.s32 $0xFFFFFF80  }
0x1c6: {  	_ =	sfence.sel $0x180000  }
0x1c7: {  	[bflag:$0x0] =	sbarrier.arrive $0xFFFF  }
0x1c8: {  	_ =	strace $0x90000047  }
0x1c9: {  	s0 =	stileid.u32;
	[bflag:$0x2] =	sbarrier.arrive $0xFFFF  }
0x1ca: {  	p0 =	sne.s32 s0, $0x0;
	s0 =	rddreg [dreg:$0x3]  }
0x1cb: {  	s0 =	sadd.s32 @!p0 $0x100000, s0  }
0x1cc: {  	[sflag:s0] =	ssyncadd.tile.s32 @!p0 $0x1;
	_ =	shalt  }
.Lfunc_end2:
_tile_overlayer_lowered:
.L_overlay_start_2:
0x1cd: {  	(tag) =	ssettag $0x2  }
0x1ce: {  	s0 =	rddreg [dreg:$0x0];
	s2 =	stileid.u32  }
0x1cf: {  	s1 =	rddreg [dreg:$0x1];
	p0 =	sne.s32 s2, $0x0  }
0x1d0: {  	s3 =	rddreg [dreg:$0x2];
	[bflag:$0x3] =	sbarrier.arrive $0xFFFF;
	s2 =	simm.s32 @!p0 $0x1C02  }
0x1d1: {  	[timem:s3], [sflag:s2] =	dma.local @!p0 [hbm:s0], s1  }
0x1d2: {  	s0 =	simm.s32 @!p0 $0x2  }
0x1d3: {  	_ =	swait.ge @!p0 [sflag:s0], s1  }
0x1d4: {  	s1 =	ssub.s32 @!p0 $0x0, s1;
	[sflag:s0] =	ssyncset.done @!p0 $0x0  }
0x1d5: {  	[sflag:s0] =	ssyncadd.s32 @!p0 s1  }
0x1d6: {  	[bflag:$0x3] =	sbarrier.arrive $0xFFFF  }
0x1d7: {  	_ =	shalt  }

</sc_bundles>
